<compile_context>
chip_gen: v7x
topology: tpu7x:2x2x1
jax: 0.10.2.dev20260603
libtpu: 0.0.44.dev20260713+nightly
codegen_flags: <defaults>
</compile_context>

<pallas_src>
import functools

import jax
import jax.numpy as jnp
from jax import lax
from jax.experimental import pallas as pl
from jax.experimental.pallas import tpu as pltpu
from jax.experimental.pallas import tpu_sc as plsc


def kernel(x, routing_matrix):
    B, S, C = x.shape
    R = routing_matrix.shape[-1]
    W = C // R

    NC, NS = 2, 16
    NW = NC * NS
    wpb = NW // B
    s_chunk = S // wpb

    NBUF = 3
    ROWS = 64
    sizes = [ROWS] * (s_chunk // ROWS)
    if s_chunk % ROWS:
        sizes.append(s_chunk % ROWS)
    offs = [sum(sizes[:k]) for k in range(len(sizes))]
    chunks = len(sizes)

    rm_flat = routing_matrix.reshape(B * R)

    mesh = plsc.VectorSubcoreMesh(
        core_axis_name="c", subcore_axis_name="s", num_cores=NC, num_subcores=NS
    )

    @functools.partial(
        pl.kernel,
        out_type=jax.ShapeDtypeStruct((B, S, W), jnp.float32),
        mesh=mesh,
        scratch_types=[
            pltpu.VMEM((B * R,), jnp.float32),
            pltpu.VMEM((NBUF, ROWS, W), jnp.float32),
            pltpu.SemaphoreType.DMA((NBUF,)),
            pltpu.SemaphoreType.DMA((NBUF,)),
        ],
        compiler_params=pltpu.CompilerParams(needs_layout_passes=False),
    )
    def run(x_hbm, rm_hbm, out_hbm, rm_v, buf, gsem, ssem):
        wid = lax.axis_index("s") * NC + lax.axis_index("c")
        b = wid // wpb
        s0 = (wid % wpb) * s_chunk

        pltpu.sync_copy(rm_hbm, rm_v)
        lane = lax.iota(jnp.int32, 16)
        half = jnp.where(jnp.broadcast_to(b >= 2, (16,)),
                         rm_v[pl.ds(16, 16)], rm_v[pl.ds(0, 16)])
        in_row = (lane // R) == jnp.broadcast_to(b % 2, (16,))
        w = jnp.where(in_row, (lane % R).astype(jnp.float32), 0.0)
        r = jnp.sum(half * w, axis=0).astype(jnp.int32)
        off = r * W

        def src(k):
            return x_hbm.at[b, pl.ds(s0 + offs[k], sizes[k]), pl.ds(off, W)]

        def dst(k):
            return out_hbm.at[b, pl.ds(s0 + offs[k], sizes[k]), :]

        def stage(k, i):
            return buf.at[i] if sizes[k] == ROWS else buf.at[i, pl.ds(0, sizes[k])]

        g = [None] * NBUF
        s = [None] * NBUF
        g[0] = pltpu.async_copy(src(0), stage(0, 0), gsem.at[0])
        for k in range(chunks):
            i = k % NBUF
            g[i].wait()
            if k + 1 < chunks:
                j = (k + 1) % NBUF
                if k + 1 >= NBUF:
                    s[j].wait()
                g[j] = pltpu.async_copy(src(k + 1), stage(k + 1, j), gsem.at[j])
            s[i] = pltpu.async_copy(stage(k, i), dst(k), ssem.at[i])
        for k in range(max(0, chunks - NBUF), chunks):
            s[k % NBUF].wait()

    return run(x, rm_flat)

# --- scband reference (transcript-rebuilt; emitter-appended) ---
"""Pipeline reference for scband-cigt-masking-layer-with-boolean-mask-17987323036135 (READ-ONLY COPY).

The authoritative reference and input builder live on the scoring server;
editing this copy changes nothing except your own understanding.
"""

import jax, jax.numpy as jnp
import numpy as np


def setup_inputs(seed: int = 0) -> dict:
    key = jax.random.key(seed)
    k1, k2 = jax.random.split(key)
    B, S, C, R = 4, 2048, 4096, 8
    x = jax.random.normal(k1, (B, S, C), dtype=jnp.float32)
    # routing matrix must be exactly one-hot per row (boolean_mask + reshape in the
    # original TF layer requires exactly route_width selected channels per sample)
    route_idx = jax.random.randint(k2, (B,), 0, R)
    routing_matrix = jax.nn.one_hot(route_idx, R, dtype=jnp.float32)
    return {"x": x, "routing_matrix": routing_matrix}


def reference(x, routing_matrix):
    # Faithful translation of CigtMaskingLayerWithBooleanMask.call for a one-hot
    # routing matrix. TF does: transpose channels to axis 1, repeat routing matrix
    # route_width times along channels, boolean_mask (keeps the contiguous
    # route_width channel block of the selected route, in order), reshape to
    # [B, route_width, *middle], transpose back to [B, *middle, route_width].
    # Because the mask selects one contiguous block per sample, this is exactly a
    # per-sample gather of channels [r*route_width, (r+1)*route_width).
    B = x.shape[0]
    num_routes = routing_matrix.shape[-1]
    route_width = x.shape[-1] // num_routes
    route_idx = jnp.argmax(routing_matrix, axis=-1)  # [B], int
    ch = route_idx[:, None] * route_width + jnp.arange(route_width)[None, :]  # [B, route_width]
    # broadcast gather indices across all middle dims of x
    idx_shape = (B,) + (1,) * (x.ndim - 2) + (route_width,)
    idx = ch.reshape(idx_shape)
    idx = jnp.broadcast_to(idx, x.shape[:-1] + (route_width,))
    x_hat = jnp.take_along_axis(x, idx, axis=-1)
    return x_hat

if __name__ == "__main__":
    import jax
    _d = setup_inputs()
    print(jax.jit(kernel)(*tuple(_d.values())))

</pallas_src>

<mosaic_0001>
#map = affine_map<(d0, d1) -> (0, 0, 0)>
#map1 = affine_map<(d0, d1) -> (0)>
module attributes {stable_mosaic.version = 14 : i64} {
  func.func @run(%arg0: i32, %arg1: i32, %arg2: memref<4x2048x4096xf32, #tpu.memory_space<hbm>>, %arg3: memref<32xf32, #tpu.memory_space<hbm>>, %arg4: memref<4x2048x512xf32, #tpu.memory_space<hbm>>, %arg5: memref<32xf32, #tpu.memory_space<vmem>>, %arg6: memref<3x64x512xf32, #tpu.memory_space<vmem>>, %arg7: memref<3x!tpu.dma_semaphore, #tpu.memory_space<semaphore_mem>>, %arg8: memref<3x!tpu.dma_semaphore, #tpu.memory_space<semaphore_mem>>) attributes {dimension_semantics = [#tpu.dimension_semantics<core_parallel>, #tpu.dimension_semantics<subcore_parallel>], iteration_bounds = array<i64: 2, 16>, scalar_prefetch = 0 : i64, scratch_operands = 4 : i64, tpu.core_type = #tpu.core_type<sc_vector_subcore>, window_params = [{transform_indices = #map}, {transform_indices = #map1}, {transform_indices = #map}]} {
    %mul3A = arith.constant 2 : i32
    %mul3A_0 = arith.muli %arg1, %mul3A : i32
    %add3A = arith.addi %mul3A_0, %arg0 : i32
    %jit3A = arith.constant 8 : i32
    %div3A = arith.divsi %add3A, %jit3A : i32
    %sign3A = arith.constant 0 : i32
    %sign3A_1 = arith.cmpi sgt, %add3A, %sign3A : i32
    %sign3A_2 = arith.extui %sign3A_1 : i1 to i32
    %sign3A_3 = arith.constant 0 : i32
    %sign3A_4 = arith.cmpi slt, %add3A, %sign3A_3 : i32
    %sign3A_5 = arith.extui %sign3A_4 : i1 to i32
    %sign3A_6 = arith.subi %sign3A_2, %sign3A_5 : i32
    %sign3A_7 = arith.constant 0 : i32
    %sign3A_8 = arith.cmpi sgt, %jit3A, %sign3A_7 : i32
    %sign3A_9 = arith.extui %sign3A_8 : i1 to i32
    %sign3A_10 = arith.constant 0 : i32
    %sign3A_11 = arith.cmpi slt, %jit3A, %sign3A_10 : i32
    %sign3A_12 = arith.extui %sign3A_11 : i1 to i32
    %sign3A_13 = arith.subi %sign3A_9, %sign3A_12 : i32
    %ne3A = arith.cmpi ne, %sign3A_6, %sign3A_13 : i32
    %rem3A = arith.remsi %add3A, %jit3A : i32
    %ne3A_14 = arith.constant 0 : i32
    %ne3A_15 = arith.cmpi ne, %rem3A, %ne3A_14 : i32
    %and3A = arith.andi %ne3A, %ne3A_15 : i1
    %sub3A = arith.constant 1 : i32
    %sub3A_16 = arith.subi %div3A, %sub3A : i32
    %select_n3A = arith.select %and3A, %sub3A_16, %div3A : i32
    %jit3A_17 = arith.constant 8 : i32
    %eq3A = arith.constant 0 : i32
    %eq3A_18 = arith.cmpi eq, %jit3A_17, %eq3A : i32
    %jit3A_19 = arith.constant 1 : i32
    %select_n3A_20 = arith.select %eq3A_18, %jit3A_19, %jit3A_17 : i32
    %rem3A_21 = arith.remsi %add3A, %select_n3A_20 : i32
    %ne3A_22 = arith.constant 0 : i32
    %ne3A_23 = arith.cmpi ne, %rem3A_21, %ne3A_22 : i32
    %lt3A = arith.constant 0 : i32
    %lt3A_24 = arith.cmpi slt, %rem3A_21, %lt3A : i32
    %lt3A_25 = arith.constant 0 : i32
    %lt3A_26 = arith.cmpi slt, %select_n3A_20, %lt3A_25 : i32
    %ne3A_27 = arith.xori %lt3A_24, %lt3A_26 : i1
    %and3A_28 = arith.andi %ne3A_27, %ne3A_23 : i1
    %add3A_29 = arith.addi %rem3A_21, %select_n3A_20 : i32
    %select_n3A_30 = arith.select %and3A_28, %add3A_29, %rem3A_21 : i32
    %mul3A_31 = arith.constant 256 : i32
    %mul3A_32 = arith.muli %select_n3A_30, %mul3A_31 : i32
    "tpu.region"() ({
      %run_scoped3A = tpu.sem_alloc : memref<!tpu.dma_semaphore, #tpu.memory_space<semaphore_mem>>
      tpu.enqueue_dma source(%arg3 : memref<32xf32, #tpu.memory_space<hbm>>) target(%arg5 : memref<32xf32, #tpu.memory_space<vmem>>) target_semaphore(%run_scoped3A : memref<!tpu.dma_semaphore, #tpu.memory_space<semaphore_mem>>)
      tpu.wait_dma2 semaphore(%run_scoped3A : memref<!tpu.dma_semaphore, #tpu.memory_space<semaphore_mem>>) src(%arg3 : memref<32xf32, #tpu.memory_space<hbm>>) dst(%arg5 : memref<32xf32, #tpu.memory_space<vmem>>)
      tpu.yield
    }) : () -> ()
    %iota3A = tpu.iota {dimensions = array<i32: 0>} : vector<16xi32>
    %ge3A = arith.constant 2 : i32
    %ge3A_33 = arith.cmpi sge, %select_n3A, %ge3A : i32
    %broadcast_in_dim3A = vector.broadcast %ge3A_33 : i1 to vector<16xi1>
    %get3A = arith.constant 16 : index
    %get3A_34 = tpu.vector_load %arg5[%get3A] {strides = array<i32>} : memref<32xf32, #tpu.memory_space<vmem>>, vector<16xf32>,
    %get3A_35 = arith.constant 0 : index
    %get3A_36 = tpu.vector_load %arg5[%get3A_35] {strides = array<i32>} : memref<32xf32, #tpu.memory_space<vmem>>, vector<16xf32>,
    %select_n3A_37 = arith.select %broadcast_in_dim3A, %get3A_34, %get3A_36 : vector<16xi1>, vector<16xf32>
    %jit3A_38 = arith.constant 8 : i32
    %div3A_39 = vector.broadcast %jit3A_38 : i32 to vector<16xi32>
    %div3A_40 = arith.divsi %iota3A, %div3A_39 : vector<16xi32>
    %sign3A_41 = arith.constant 0 : i32
    %sign3A_42 = vector.broadcast %sign3A_41 : i32 to vector<16xi32>
    %sign3A_43 = arith.cmpi sgt, %iota3A, %sign3A_42 : vector<16xi32>
    %sign3A_44 = arith.extui %sign3A_43 : vector<16xi1> to vector<16xi32>
    %sign3A_45 = arith.constant 0 : i32
    %sign3A_46 = vector.broadcast %sign3A_45 : i32 to vector<16xi32>
    %sign3A_47 = arith.cmpi slt, %iota3A, %sign3A_46 : vector<16xi32>
    %sign3A_48 = arith.extui %sign3A_47 : vector<16xi1> to vector<16xi32>
    %sign3A_49 = arith.subi %sign3A_44, %sign3A_48 : vector<16xi32>
    %sign3A_50 = arith.constant 0 : i32
    %sign3A_51 = arith.cmpi sgt, %jit3A_38, %sign3A_50 : i32
    %sign3A_52 = arith.extui %sign3A_51 : i1 to i32
    %sign3A_53 = arith.constant 0 : i32
    %sign3A_54 = arith.cmpi slt, %jit3A_38, %sign3A_53 : i32
    %sign3A_55 = arith.extui %sign3A_54 : i1 to i32
    %sign3A_56 = arith.subi %sign3A_52, %sign3A_55 : i32
    %ne3A_57 = vector.broadcast %sign3A_56 : i32 to vector<16xi32>
    %ne3A_58 = arith.cmpi ne, %sign3A_49, %ne3A_57 : vector<16xi32>
    %rem3A_59 = vector.broadcast %jit3A_38 : i32 to vector<16xi32>
    %rem3A_60 = arith.remsi %iota3A, %rem3A_59 : vector<16xi32>
    %ne3A_61 = arith.constant 0 : i32
    %ne3A_62 = vector.broadcast %ne3A_61 : i32 to vector<16xi32>
    %ne3A_63 = arith.cmpi ne, %rem3A_60, %ne3A_62 : vector<16xi32>
    %and3A_64 = arith.andi %ne3A_58, %ne3A_63 : vector<16xi1>
    %sub3A_65 = arith.constant 1 : i32
    %sub3A_66 = vector.broadcast %sub3A_65 : i32 to vector<16xi32>
    %sub3A_67 = arith.subi %div3A_40, %sub3A_66 : vector<16xi32>
    %select_n3A_68 = arith.select %and3A_64, %sub3A_67, %div3A_40 : vector<16xi1>, vector<16xi32>
    %jit3A_69 = arith.constant 2 : i32
    %eq3A_70 = arith.constant 0 : i32
    %eq3A_71 = arith.cmpi eq, %jit3A_69, %eq3A_70 : i32
    %jit3A_72 = arith.constant 1 : i32
    %select_n3A_73 = arith.select %eq3A_71, %jit3A_72, %jit3A_69 : i32
    %rem3A_74 = arith.remsi %select_n3A, %select_n3A_73 : i32
    %ne3A_75 = arith.constant 0 : i32
    %ne3A_76 = arith.cmpi ne, %rem3A_74, %ne3A_75 : i32
    %lt3A_77 = arith.constant 0 : i32
    %lt3A_78 = arith.cmpi slt, %rem3A_74, %lt3A_77 : i32
    %lt3A_79 = arith.constant 0 : i32
    %lt3A_80 = arith.cmpi slt, %select_n3A_73, %lt3A_79 : i32
    %ne3A_81 = arith.xori %lt3A_78, %lt3A_80 : i1
    %and3A_82 = arith.andi %ne3A_81, %ne3A_76 : i1
    %add3A_83 = arith.addi %rem3A_74, %select_n3A_73 : i32
    %select_n3A_84 = arith.select %and3A_82, %add3A_83, %rem3A_74 : i32
    %broadcast_in_dim3A_85 = vector.broadcast %select_n3A_84 : i32 to vector<16xi32>
    %eq3A_86 = arith.cmpi eq, %select_n3A_68, %broadcast_in_dim3A_85 : vector<16xi32>
    %jit3A_87 = arith.constant 8 : i32
    %eq3A_88 = arith.constant 0 : i32
    %eq3A_89 = arith.cmpi eq, %jit3A_87, %eq3A_88 : i32
    %jit3A_90 = arith.constant 1 : i32
    %select_n3A_91 = arith.select %eq3A_89, %jit3A_90, %jit3A_87 : i32
    %rem3A_92 = vector.broadcast %select_n3A_91 : i32 to vector<16xi32>
    %rem3A_93 = arith.remsi %iota3A, %rem3A_92 : vector<16xi32>
    %ne3A_94 = arith.constant 0 : i32
    %ne3A_95 = vector.broadcast %ne3A_94 : i32 to vector<16xi32>
    %ne3A_96 = arith.cmpi ne, %rem3A_93, %ne3A_95 : vector<16xi32>
    %lt3A_97 = arith.constant 0 : i32
    %lt3A_98 = vector.broadcast %lt3A_97 : i32 to vector<16xi32>
    %lt3A_99 = arith.cmpi slt, %rem3A_93, %lt3A_98 : vector<16xi32>
    %lt3A_100 = arith.constant 0 : i32
    %lt3A_101 = arith.cmpi slt, %select_n3A_91, %lt3A_100 : i32
    %ne3A_102 = vector.broadcast %lt3A_101 : i1 to vector<16xi1>
    %ne3A_103 = vector.broadcast %ne3A_102 : vector<16xi1> to vector<16xi1>
    %ne3A_104 = arith.xori %lt3A_99, %ne3A_103 : vector<16xi1>
    %and3A_105 = arith.andi %ne3A_104, %ne3A_96 : vector<16xi1>
    %add3A_106 = vector.broadcast %select_n3A_91 : i32 to vector<16xi32>
    %add3A_107 = arith.addi %rem3A_93, %add3A_106 : vector<16xi32>
    %select_n3A_108 = arith.select %and3A_105, %add3A_107, %rem3A_93 : vector<16xi1>, vector<16xi32>
    %convert_element_type3A = arith.sitofp %select_n3A_108 : vector<16xi32> to vector<16xf32>
    %jit3A_109 = arith.constant 0.000000e+00 : f32
    %broadcast_in_dim3A_110 = vector.broadcast %jit3A_109 : f32 to vector<16xf32>
    %select_n3A_111 = arith.select %eq3A_86, %convert_element_type3A, %broadcast_in_dim3A_110 : vector<16xi1>, vector<16xf32>
    %mul3A_112 = arith.mulf %select_n3A_37, %select_n3A_111 : vector<16xf32>
    %reduce_sum3A = arith.constant true
    %reduce_sum3A_113 = vector.broadcast %reduce_sum3A : i1 to vector<16xi1>
    %reduce_sum3A_114 = tpu.scan <sum>, %mul3A_112 masked %reduce_sum3A_113 : vector<16xf32>, vector<16xi1> -> vector<16xf32>
    %reduce_sum3A_115 = vector.extract %reduce_sum3A_114[15] : f32 from vector<16xf32>
    %convert_element_type3A_116 = arith.fptosi %reduce_sum3A_115 : f32 to i32
    %mul3A_117 = arith.constant 512 : i32
    %mul3A_118 = arith.muli %convert_element_type3A_116, %mul3A_117 : i32
    %add3A_119 = arith.constant 0 : i32
    %add3A_120 = arith.addi %mul3A_32, %add3A_119 : i32
    %dma_start3A = arith.constant 0 : i32
    %dma_start3A_121 = arith.constant 0 : i32
    %dma_start3A_122 = arith.constant 0 : i32
    %dma_start3A_123 = arith.constant 0 : i32
    %dma_start3A_124 = tpu.memref_slice %arg6[%dma_start3A, %dma_start3A_122, %dma_start3A_123] : memref<3x64x512xf32, #tpu.memory_space<vmem>> -> memref<1x64x512xf32, #tpu.memory_space<vmem>>
    %dma_start3A_125 = tpu.memref_squeeze %dma_start3A_124 : memref<1x64x512xf32, #tpu.memory_space<vmem>> -> memref<64x512xf32, #tpu.memory_space<vmem>>
    %dma_start3A_126 = tpu.memref_slice %arg2[%select_n3A, %add3A_120, %mul3A_118] : memref<4x2048x4096xf32, #tpu.memory_space<hbm>> -> memref<1x64x512xf32, #tpu.memory_space<hbm>>
    %dma_start3A_127 = tpu.memref_squeeze %dma_start3A_126 : memref<1x64x512xf32, #tpu.memory_space<hbm>> -> memref<64x512xf32, #tpu.memory_space<hbm>>
    %dma_start3A_128 = tpu.memref_slice %arg7[%dma_start3A_121] : memref<3x!tpu.dma_semaphore, #tpu.memory_space<semaphore_mem>> -> memref<1x!tpu.dma_semaphore, #tpu.memory_space<semaphore_mem>>
    %dma_start3A_129 = tpu.memref_squeeze %dma_start3A_128 : memref<1x!tpu.dma_semaphore, #tpu.memory_space<semaphore_mem>> -> memref<!tpu.dma_semaphore, #tpu.memory_space<semaphore_mem>>
    %dma_start3A_130 = arith.constant 0 : i32
    %dma_start3A_131 = arith.constant 0 : i32
    %dma_start3A_132 = tpu.memref_slice %arg6[%dma_start3A, %dma_start3A_130, %dma_start3A_131] : memref<3x64x512xf32, #tpu.memory_space<vmem>> -> memref<1x64x512xf32, #tpu.memory_space<vmem>>
    %dma_start3A_133 = tpu.memref_squeeze %dma_start3A_132 : memref<1x64x512xf32, #tpu.memory_space<vmem>> -> memref<64x512xf32, #tpu.memory_space<vmem>>
    %dma_start3A_134 = tpu.memref_slice %arg2[%select_n3A, %add3A_120, %mul3A_118] : memref<4x2048x4096xf32, #tpu.memory_space<hbm>> -> memref<1x64x512xf32, #tpu.memory_space<hbm>>
    %dma_start3A_135 = tpu.memref_squeeze %dma_start3A_134 : memref<1x64x512xf32, #tpu.memory_space<hbm>> -> memref<64x512xf32, #tpu.memory_space<hbm>>
    tpu.enqueue_dma source(%dma_start3A_135 : memref<64x512xf32, #tpu.memory_space<hbm>>) target(%dma_start3A_133 : memref<64x512xf32, #tpu.memory_space<vmem>>) target_semaphore(%dma_start3A_129 : memref<!tpu.dma_semaphore, #tpu.memory_space<semaphore_mem>>)
    %dma_wait3A = arith.constant 0 : i32
    %dma_wait3A_136 = arith.constant 0 : i32
    %dma_wait3A_137 = arith.constant 0 : i32
    %dma_wait3A_138 = arith.constant 0 : i32
    %dma_wait3A_139 = tpu.memref_slice %arg6[%dma_wait3A, %dma_wait3A_137, %dma_wait3A_138] : memref<3x64x512xf32, #tpu.memory_space<vmem>> -> memref<1x64x512xf32, #tpu.memory_space<vmem>>
    %dma_wait3A_140 = tpu.memref_squeeze %dma_wait3A_139 : memref<1x64x512xf32, #tpu.memory_space<vmem>> -> memref<64x512xf32, #tpu.memory_space<vmem>>
    %dma_wait3A_141 = tpu.memref_slice %arg2[%select_n3A, %add3A_120, %mul3A_118] : memref<4x2048x4096xf32, #tpu.memory_space<hbm>> -> memref<1x64x512xf32, #tpu.memory_space<hbm>>
    %dma_wait3A_142 = tpu.memref_squeeze %dma_wait3A_141 : memref<1x64x512xf32, #tpu.memory_space<hbm>> -> memref<64x512xf32, #tpu.memory_space<hbm>>
    %dma_wait3A_143 = tpu.memref_slice %arg7[%dma_wait3A_136] : memref<3x!tpu.dma_semaphore, #tpu.memory_space<semaphore_mem>> -> memref<1x!tpu.dma_semaphore, #tpu.memory_space<semaphore_mem>>
    %dma_wait3A_144 = tpu.memref_squeeze %dma_wait3A_143 : memref<1x!tpu.dma_semaphore, #tpu.memory_space<semaphore_mem>> -> memref<!tpu.dma_semaphore, #tpu.memory_space<semaphore_mem>>
    %dma_wait3A_145 = arith.constant 0 : i32
    %dma_wait3A_146 = arith.constant 0 : i32
    %dma_wait3A_147 = tpu.memref_slice %arg6[%dma_wait3A, %dma_wait3A_145, %dma_wait3A_146] : memref<3x64x512xf32, #tpu.memory_space<vmem>> -> memref<1x64x512xf32, #tpu.memory_space<vmem>>
    %dma_wait3A_148 = tpu.memref_squeeze %dma_wait3A_147 : memref<1x64x512xf32, #tpu.memory_space<vmem>> -> memref<64x512xf32, #tpu.memory_space<vmem>>
    %dma_wait3A_149 = tpu.memref_slice %arg2[%select_n3A, %add3A_120, %mul3A_118] : memref<4x2048x4096xf32, #tpu.memory_space<hbm>> -> memref<1x64x512xf32, #tpu.memory_space<hbm>>
    %dma_wait3A_150 = tpu.memref_squeeze %dma_wait3A_149 : memref<1x64x512xf32, #tpu.memory_space<hbm>> -> memref<64x512xf32, #tpu.memory_space<hbm>>
    tpu.wait_dma2 semaphore(%dma_wait3A_144 : memref<!tpu.dma_semaphore, #tpu.memory_space<semaphore_mem>>) src(%dma_wait3A_150 : memref<64x512xf32, #tpu.memory_space<hbm>>) dst(%dma_wait3A_148 : memref<64x512xf32, #tpu.memory_space<vmem>>)
    %add3A_151 = arith.constant 64 : i32
    %add3A_152 = arith.addi %mul3A_32, %add3A_151 : i32
    %dma_start3A_153 = arith.constant 1 : i32
    %dma_start3A_154 = arith.constant 1 : i32
    %dma_start3A_155 = arith.constant 0 : i32
    %dma_start3A_156 = arith.constant 0 : i32
    %dma_start3A_157 = tpu.memref_slice %arg6[%dma_start3A_153, %dma_start3A_155, %dma_start3A_156] : memref<3x64x512xf32, #tpu.memory_space<vmem>> -> memref<1x64x512xf32, #tpu.memory_space<vmem>>
    %dma_start3A_158 = tpu.memref_squeeze %dma_start3A_157 : memref<1x64x512xf32, #tpu.memory_space<vmem>> -> memref<64x512xf32, #tpu.memory_space<vmem>>
    %dma_start3A_159 = tpu.memref_slice %arg2[%select_n3A, %add3A_152, %mul3A_118] : memref<4x2048x4096xf32, #tpu.memory_space<hbm>> -> memref<1x64x512xf32, #tpu.memory_space<hbm>>
    %dma_start3A_160 = tpu.memref_squeeze %dma_start3A_159 : memref<1x64x512xf32, #tpu.memory_space<hbm>> -> memref<64x512xf32, #tpu.memory_space<hbm>>
    %dma_start3A_161 = tpu.memref_slice %arg7[%dma_start3A_154] : memref<3x!tpu.dma_semaphore, #tpu.memory_space<semaphore_mem>> -> memref<1x!tpu.dma_semaphore, #tpu.memory_space<semaphore_mem>>
    %dma_start3A_162 = tpu.memref_squeeze %dma_start3A_161 : memref<1x!tpu.dma_semaphore, #tpu.memory_space<semaphore_mem>> -> memref<!tpu.dma_semaphore, #tpu.memory_space<semaphore_mem>>
    %dma_start3A_163 = arith.constant 0 : i32
    %dma_start3A_164 = arith.constant 0 : i32
    %dma_start3A_165 = tpu.memref_slice %arg6[%dma_start3A_153, %dma_start3A_163, %dma_start3A_164] : memref<3x64x512xf32, #tpu.memory_space<vmem>> -> memref<1x64x512xf32, #tpu.memory_space<vmem>>
    %dma_start3A_166 = tpu.memref_squeeze %dma_start3A_165 : memref<1x64x512xf32, #tpu.memory_space<vmem>> -> memref<64x512xf32, #tpu.memory_space<vmem>>
    %dma_start3A_167 = tpu.memref_slice %arg2[%select_n3A, %add3A_152, %mul3A_118] : memref<4x2048x4096xf32, #tpu.memory_space<hbm>> -> memref<1x64x512xf32, #tpu.memory_space<hbm>>
    %dma_start3A_168 = tpu.memref_squeeze %dma_start3A_167 : memref<1x64x512xf32, #tpu.memory_space<hbm>> -> memref<64x512xf32, #tpu.memory_space<hbm>>
    tpu.enqueue_dma source(%dma_start3A_168 : memref<64x512xf32, #tpu.memory_space<hbm>>) target(%dma_start3A_166 : memref<64x512xf32, #tpu.memory_space<vmem>>) target_semaphore(%dma_start3A_162 : memref<!tpu.dma_semaphore, #tpu.memory_space<semaphore_mem>>)
    %add3A_169 = arith.constant 0 : i32
    %add3A_170 = arith.addi %mul3A_32, %add3A_169 : i32
    %dma_start3A_171 = arith.constant 0 : i32
    %dma_start3A_172 = arith.constant 0 : i32
    %dma_start3A_173 = arith.constant 0 : i32
    %dma_start3A_174 = arith.constant 0 : i32
    %dma_start3A_175 = tpu.memref_slice %arg6[%dma_start3A_171, %dma_start3A_173, %dma_start3A_174] : memref<3x64x512xf32, #tpu.memory_space<vmem>> -> memref<1x64x512xf32, #tpu.memory_space<vmem>>
    %dma_start3A_176 = tpu.memref_squeeze %dma_start3A_175 : memref<1x64x512xf32, #tpu.memory_space<vmem>> -> memref<64x512xf32, #tpu.memory_space<vmem>>
    %dma_start3A_177 = arith.constant 0 : i32
    %dma_start3A_178 = tpu.memref_slice %arg4[%select_n3A, %add3A_170, %dma_start3A_177] : memref<4x2048x512xf32, #tpu.memory_space<hbm>> -> memref<1x64x512xf32, #tpu.memory_space<hbm>>
    %dma_start3A_179 = tpu.memref_squeeze %dma_start3A_178 : memref<1x64x512xf32, #tpu.memory_space<hbm>> -> memref<64x512xf32, #tpu.memory_space<hbm>>
    %dma_start3A_180 = tpu.memref_slice %arg8[%dma_start3A_172] : memref<3x!tpu.dma_semaphore, #tpu.memory_space<semaphore_mem>> -> memref<1x!tpu.dma_semaphore, #tpu.memory_space<semaphore_mem>>
    %dma_start3A_181 = tpu.memref_squeeze %dma_start3A_180 : memref<1x!tpu.dma_semaphore, #tpu.memory_space<semaphore_mem>> -> memref<!tpu.dma_semaphore, #tpu.memory_space<semaphore_mem>>
    %dma_start3A_182 = arith.constant 0 : i32
    %dma_start3A_183 = tpu.memref_slice %arg4[%select_n3A, %add3A_170, %dma_start3A_182] : memref<4x2048x512xf32, #tpu.memory_space<hbm>> -> memref<1x64x512xf32, #tpu.memory_space<hbm>>
    %dma_start3A_184 = tpu.memref_squeeze %dma_start3A_183 : memref<1x64x512xf32, #tpu.memory_space<hbm>> -> memref<64x512xf32, #tpu.memory_space<hbm>>
    %dma_start3A_185 = arith.constant 0 : i32
    %dma_start3A_186 = arith.constant 0 : i32
    %dma_start3A_187 = tpu.memref_slice %arg6[%dma_start3A_171, %dma_start3A_185, %dma_start3A_186] : memref<3x64x512xf32, #tpu.memory_space<vmem>> -> memref<1x64x512xf32, #tpu.memory_space<vmem>>
    %dma_start3A_188 = tpu.memref_squeeze %dma_start3A_187 : memref<1x64x512xf32, #tpu.memory_space<vmem>> -> memref<64x512xf32, #tpu.memory_space<vmem>>
    tpu.enqueue_dma source(%dma_start3A_188 : memref<64x512xf32, #tpu.memory_space<vmem>>) target(%dma_start3A_184 : memref<64x512xf32, #tpu.memory_space<hbm>>) target_semaphore(%dma_start3A_181 : memref<!tpu.dma_semaphore, #tpu.memory_space<semaphore_mem>>)
    %dma_wait3A_189 = arith.constant 1 : i32
    %dma_wait3A_190 = arith.constant 1 : i32
    %dma_wait3A_191 = arith.constant 0 : i32
    %dma_wait3A_192 = arith.constant 0 : i32
    %dma_wait3A_193 = tpu.memref_slice %arg6[%dma_wait3A_189, %dma_wait3A_191, %dma_wait3A_192] : memref<3x64x512xf32, #tpu.memory_space<vmem>> -> memref<1x64x512xf32, #tpu.memory_space<vmem>>
    %dma_wait3A_194 = tpu.memref_squeeze %dma_wait3A_193 : memref<1x64x512xf32, #tpu.memory_space<vmem>> -> memref<64x512xf32, #tpu.memory_space<vmem>>
    %dma_wait3A_195 = tpu.memref_slice %arg2[%select_n3A, %add3A_152, %mul3A_118] : memref<4x2048x4096xf32, #tpu.memory_space<hbm>> -> memref<1x64x512xf32, #tpu.memory_space<hbm>>
    %dma_wait3A_196 = tpu.memref_squeeze %dma_wait3A_195 : memref<1x64x512xf32, #tpu.memory_space<hbm>> -> memref<64x512xf32, #tpu.memory_space<hbm>>
    %dma_wait3A_197 = tpu.memref_slice %arg7[%dma_wait3A_190] : memref<3x!tpu.dma_semaphore, #tpu.memory_space<semaphore_mem>> -> memref<1x!tpu.dma_semaphore, #tpu.memory_space<semaphore_mem>>
    %dma_wait3A_198 = tpu.memref_squeeze %dma_wait3A_197 : memref<1x!tpu.dma_semaphore, #tpu.memory_space<semaphore_mem>> -> memref<!tpu.dma_semaphore, #tpu.memory_space<semaphore_mem>>
    %dma_wait3A_199 = arith.constant 0 : i32
    %dma_wait3A_200 = arith.constant 0 : i32
    %dma_wait3A_201 = tpu.memref_slice %arg6[%dma_wait3A_189, %dma_wait3A_199, %dma_wait3A_200] : memref<3x64x512xf32, #tpu.memory_space<vmem>> -> memref<1x64x512xf32, #tpu.memory_space<vmem>>
    %dma_wait3A_202 = tpu.memref_squeeze %dma_wait3A_201 : memref<1x64x512xf32, #tpu.memory_space<vmem>> -> memref<64x512xf32, #tpu.memory_space<vmem>>
    %dma_wait3A_203 = tpu.memref_slice %arg2[%select_n3A, %add3A_152, %mul3A_118] : memref<4x2048x4096xf32, #tpu.memory_space<hbm>> -> memref<1x64x512xf32, #tpu.memory_space<hbm>>
    %dma_wait3A_204 = tpu.memref_squeeze %dma_wait3A_203 : memref<1x64x512xf32, #tpu.memory_space<hbm>> -> memref<64x512xf32, #tpu.memory_space<hbm>>
    tpu.wait_dma2 semaphore(%dma_wait3A_198 : memref<!tpu.dma_semaphore, #tpu.memory_space<semaphore_mem>>) src(%dma_wait3A_204 : memref<64x512xf32, #tpu.memory_space<hbm>>) dst(%dma_wait3A_202 : memref<64x512xf32, #tpu.memory_space<vmem>>)
    %add3A_205 = arith.constant 128 : i32
    %add3A_206 = arith.addi %mul3A_32, %add3A_205 : i32
    %dma_start3A_207 = arith.constant 2 : i32
    %dma_start3A_208 = arith.constant 2 : i32
    %dma_start3A_209 = arith.constant 0 : i32
    %dma_start3A_210 = arith.constant 0 : i32
    %dma_start3A_211 = tpu.memref_slice %arg6[%dma_start3A_207, %dma_start3A_209, %dma_start3A_210] : memref<3x64x512xf32, #tpu.memory_space<vmem>> -> memref<1x64x512xf32, #tpu.memory_space<vmem>>
    %dma_start3A_212 = tpu.memref_squeeze %dma_start3A_211 : memref<1x64x512xf32, #tpu.memory_space<vmem>> -> memref<64x512xf32, #tpu.memory_space<vmem>>
    %dma_start3A_213 = tpu.memref_slice %arg2[%select_n3A, %add3A_206, %mul3A_118] : memref<4x2048x4096xf32, #tpu.memory_space<hbm>> -> memref<1x64x512xf32, #tpu.memory_space<hbm>>
    %dma_start3A_214 = tpu.memref_squeeze %dma_start3A_213 : memref<1x64x512xf32, #tpu.memory_space<hbm>> -> memref<64x512xf32, #tpu.memory_space<hbm>>
    %dma_start3A_215 = tpu.memref_slice %arg7[%dma_start3A_208] : memref<3x!tpu.dma_semaphore, #tpu.memory_space<semaphore_mem>> -> memref<1x!tpu.dma_semaphore, #tpu.memory_space<semaphore_mem>>
    %dma_start3A_216 = tpu.memref_squeeze %dma_start3A_215 : memref<1x!tpu.dma_semaphore, #tpu.memory_space<semaphore_mem>> -> memref<!tpu.dma_semaphore, #tpu.memory_space<semaphore_mem>>
    %dma_start3A_217 = arith.constant 0 : i32
    %dma_start3A_218 = arith.constant 0 : i32
    %dma_start3A_219 = tpu.memref_slice %arg6[%dma_start3A_207, %dma_start3A_217, %dma_start3A_218] : memref<3x64x512xf32, #tpu.memory_space<vmem>> -> memref<1x64x512xf32, #tpu.memory_space<vmem>>
    %dma_start3A_220 = tpu.memref_squeeze %dma_start3A_219 : memref<1x64x512xf32, #tpu.memory_space<vmem>> -> memref<64x512xf32, #tpu.memory_space<vmem>>
    %dma_start3A_221 = tpu.memref_slice %arg2[%select_n3A, %add3A_206, %mul3A_118] : memref<4x2048x4096xf32, #tpu.memory_space<hbm>> -> memref<1x64x512xf32, #tpu.memory_space<hbm>>
    %dma_start3A_222 = tpu.memref_squeeze %dma_start3A_221 : memref<1x64x512xf32, #tpu.memory_space<hbm>> -> memref<64x512xf32, #tpu.memory_space<hbm>>
    tpu.enqueue_dma source(%dma_start3A_222 : memref<64x512xf32, #tpu.memory_space<hbm>>) target(%dma_start3A_220 : memref<64x512xf32, #tpu.memory_space<vmem>>) target_semaphore(%dma_start3A_216 : memref<!tpu.dma_semaphore, #tpu.memory_space<semaphore_mem>>)
    %add3A_223 = arith.constant 64 : i32
    %add3A_224 = arith.addi %mul3A_32, %add3A_223 : i32
    %dma_start3A_225 = arith.constant 1 : i32
    %dma_start3A_226 = arith.constant 1 : i32
    %dma_start3A_227 = arith.constant 0 : i32
    %dma_start3A_228 = arith.constant 0 : i32
    %dma_start3A_229 = tpu.memref_slice %arg6[%dma_start3A_225, %dma_start3A_227, %dma_start3A_228] : memref<3x64x512xf32, #tpu.memory_space<vmem>> -> memref<1x64x512xf32, #tpu.memory_space<vmem>>
    %dma_start3A_230 = tpu.memref_squeeze %dma_start3A_229 : memref<1x64x512xf32, #tpu.memory_space<vmem>> -> memref<64x512xf32, #tpu.memory_space<vmem>>
    %dma_start3A_231 = arith.constant 0 : i32
    %dma_start3A_232 = tpu.memref_slice %arg4[%select_n3A, %add3A_224, %dma_start3A_231] : memref<4x2048x512xf32, #tpu.memory_space<hbm>> -> memref<1x64x512xf32, #tpu.memory_space<hbm>>
    %dma_start3A_233 = tpu.memref_squeeze %dma_start3A_232 : memref<1x64x512xf32, #tpu.memory_space<hbm>> -> memref<64x512xf32, #tpu.memory_space<hbm>>
    %dma_start3A_234 = tpu.memref_slice %arg8[%dma_start3A_226] : memref<3x!tpu.dma_semaphore, #tpu.memory_space<semaphore_mem>> -> memref<1x!tpu.dma_semaphore, #tpu.memory_space<semaphore_mem>>
    %dma_start3A_235 = tpu.memref_squeeze %dma_start3A_234 : memref<1x!tpu.dma_semaphore, #tpu.memory_space<semaphore_mem>> -> memref<!tpu.dma_semaphore, #tpu.memory_space<semaphore_mem>>
    %dma_start3A_236 = arith.constant 0 : i32
    %dma_start3A_237 = tpu.memref_slice %arg4[%select_n3A, %add3A_224, %dma_start3A_236] : memref<4x2048x512xf32, #tpu.memory_space<hbm>> -> memref<1x64x512xf32, #tpu.memory_space<hbm>>
    %dma_start3A_238 = tpu.memref_squeeze %dma_start3A_237 : memref<1x64x512xf32, #tpu.memory_space<hbm>> -> memref<64x512xf32, #tpu.memory_space<hbm>>
    %dma_start3A_239 = arith.constant 0 : i32
    %dma_start3A_240 = arith.constant 0 : i32
    %dma_start3A_241 = tpu.memref_slice %arg6[%dma_start3A_225, %dma_start3A_239, %dma_start3A_240] : memref<3x64x512xf32, #tpu.memory_space<vmem>> -> memref<1x64x512xf32, #tpu.memory_space<vmem>>
    %dma_start3A_242 = tpu.memref_squeeze %dma_start3A_241 : memref<1x64x512xf32, #tpu.memory_space<vmem>> -> memref<64x512xf32, #tpu.memory_space<vmem>>
    tpu.enqueue_dma source(%dma_start3A_242 : memref<64x512xf32, #tpu.memory_space<vmem>>) target(%dma_start3A_238 : memref<64x512xf32, #tpu.memory_space<hbm>>) target_semaphore(%dma_start3A_235 : memref<!tpu.dma_semaphore, #tpu.memory_space<semaphore_mem>>)
    %dma_wait3A_243 = arith.constant 2 : i32
    %dma_wait3A_244 = arith.constant 2 : i32
    %dma_wait3A_245 = arith.constant 0 : i32
    %dma_wait3A_246 = arith.constant 0 : i32
    %dma_wait3A_247 = tpu.memref_slice %arg6[%dma_wait3A_243, %dma_wait3A_245, %dma_wait3A_246] : memref<3x64x512xf32, #tpu.memory_space<vmem>> -> memref<1x64x512xf32, #tpu.memory_space<vmem>>
    %dma_wait3A_248 = tpu.memref_squeeze %dma_wait3A_247 : memref<1x64x512xf32, #tpu.memory_space<vmem>> -> memref<64x512xf32, #tpu.memory_space<vmem>>
    %dma_wait3A_249 = tpu.memref_slice %arg2[%select_n3A, %add3A_206, %mul3A_118] : memref<4x2048x4096xf32, #tpu.memory_space<hbm>> -> memref<1x64x512xf32, #tpu.memory_space<hbm>>
    %dma_wait3A_250 = tpu.memref_squeeze %dma_wait3A_249 : memref<1x64x512xf32, #tpu.memory_space<hbm>> -> memref<64x512xf32, #tpu.memory_space<hbm>>
    %dma_wait3A_251 = tpu.memref_slice %arg7[%dma_wait3A_244] : memref<3x!tpu.dma_semaphore, #tpu.memory_space<semaphore_mem>> -> memref<1x!tpu.dma_semaphore, #tpu.memory_space<semaphore_mem>>
    %dma_wait3A_252 = tpu.memref_squeeze %dma_wait3A_251 : memref<1x!tpu.dma_semaphore, #tpu.memory_space<semaphore_mem>> -> memref<!tpu.dma_semaphore, #tpu.memory_space<semaphore_mem>>
    %dma_wait3A_253 = arith.constant 0 : i32
    %dma_wait3A_254 = arith.constant 0 : i32
    %dma_wait3A_255 = tpu.memref_slice %arg6[%dma_wait3A_243, %dma_wait3A_253, %dma_wait3A_254] : memref<3x64x512xf32, #tpu.memory_space<vmem>> -> memref<1x64x512xf32, #tpu.memory_space<vmem>>
    %dma_wait3A_256 = tpu.memref_squeeze %dma_wait3A_255 : memref<1x64x512xf32, #tpu.memory_space<vmem>> -> memref<64x512xf32, #tpu.memory_space<vmem>>
    %dma_wait3A_257 = tpu.memref_slice %arg2[%select_n3A, %add3A_206, %mul3A_118] : memref<4x2048x4096xf32, #tpu.memory_space<hbm>> -> memref<1x64x512xf32, #tpu.memory_space<hbm>>
    %dma_wait3A_258 = tpu.memref_squeeze %dma_wait3A_257 : memref<1x64x512xf32, #tpu.memory_space<hbm>> -> memref<64x512xf32, #tpu.memory_space<hbm>>
    tpu.wait_dma2 semaphore(%dma_wait3A_252 : memref<!tpu.dma_semaphore, #tpu.memory_space<semaphore_mem>>) src(%dma_wait3A_258 : memref<64x512xf32, #tpu.memory_space<hbm>>) dst(%dma_wait3A_256 : memref<64x512xf32, #tpu.memory_space<vmem>>)
    %dma_wait3A_259 = arith.constant 0 : i32
    %dma_wait3A_260 = arith.constant 0 : i32
    %dma_wait3A_261 = arith.constant 0 : i32
    %dma_wait3A_262 = arith.constant 0 : i32
    %dma_wait3A_263 = tpu.memref_slice %arg6[%dma_wait3A_259, %dma_wait3A_261, %dma_wait3A_262] : memref<3x64x512xf32, #tpu.memory_space<vmem>> -> memref<1x64x512xf32, #tpu.memory_space<vmem>>
    %dma_wait3A_264 = tpu.memref_squeeze %dma_wait3A_263 : memref<1x64x512xf32, #tpu.memory_space<vmem>> -> memref<64x512xf32, #tpu.memory_space<vmem>>
    %dma_wait3A_265 = arith.constant 0 : i32
    %dma_wait3A_266 = tpu.memref_slice %arg4[%select_n3A, %add3A_170, %dma_wait3A_265] : memref<4x2048x512xf32, #tpu.memory_space<hbm>> -> memref<1x64x512xf32, #tpu.memory_space<hbm>>
    %dma_wait3A_267 = tpu.memref_squeeze %dma_wait3A_266 : memref<1x64x512xf32, #tpu.memory_space<hbm>> -> memref<64x512xf32, #tpu.memory_space<hbm>>
    %dma_wait3A_268 = tpu.memref_slice %arg8[%dma_wait3A_260] : memref<3x!tpu.dma_semaphore, #tpu.memory_space<semaphore_mem>> -> memref<1x!tpu.dma_semaphore, #tpu.memory_space<semaphore_mem>>
    %dma_wait3A_269 = tpu.memref_squeeze %dma_wait3A_268 : memref<1x!tpu.dma_semaphore, #tpu.memory_space<semaphore_mem>> -> memref<!tpu.dma_semaphore, #tpu.memory_space<semaphore_mem>>
    %dma_wait3A_270 = arith.constant 0 : i32
    %dma_wait3A_271 = tpu.memref_slice %arg4[%select_n3A, %add3A_170, %dma_wait3A_270] : memref<4x2048x512xf32, #tpu.memory_space<hbm>> -> memref<1x64x512xf32, #tpu.memory_space<hbm>>
    %dma_wait3A_272 = tpu.memref_squeeze %dma_wait3A_271 : memref<1x64x512xf32, #tpu.memory_space<hbm>> -> memref<64x512xf32, #tpu.memory_space<hbm>>
    %dma_wait3A_273 = arith.constant 0 : i32
    %dma_wait3A_274 = arith.constant 0 : i32
    %dma_wait3A_275 = tpu.memref_slice %arg6[%dma_wait3A_259, %dma_wait3A_273, %dma_wait3A_274] : memref<3x64x512xf32, #tpu.memory_space<vmem>> -> memref<1x64x512xf32, #tpu.memory_space<vmem>>
    %dma_wait3A_276 = tpu.memref_squeeze %dma_wait3A_275 : memref<1x64x512xf32, #tpu.memory_space<vmem>> -> memref<64x512xf32, #tpu.memory_space<vmem>>
    tpu.wait_dma2 semaphore(%dma_wait3A_269 : memref<!tpu.dma_semaphore, #tpu.memory_space<semaphore_mem>>) src(%dma_wait3A_276 : memref<64x512xf32, #tpu.memory_space<vmem>>) dst(%dma_wait3A_272 : memref<64x512xf32, #tpu.memory_space<hbm>>)
    %add3A_277 = arith.constant 192 : i32
    %add3A_278 = arith.addi %mul3A_32, %add3A_277 : i32
    %dma_start3A_279 = arith.constant 0 : i32
    %dma_start3A_280 = arith.constant 0 : i32
    %dma_start3A_281 = arith.constant 0 : i32
    %dma_start3A_282 = arith.constant 0 : i32
    %dma_start3A_283 = tpu.memref_slice %arg6[%dma_start3A_279, %dma_start3A_281, %dma_start3A_282] : memref<3x64x512xf32, #tpu.memory_space<vmem>> -> memref<1x64x512xf32, #tpu.memory_space<vmem>>
    %dma_start3A_284 = tpu.memref_squeeze %dma_start3A_283 : memref<1x64x512xf32, #tpu.memory_space<vmem>> -> memref<64x512xf32, #tpu.memory_space<vmem>>
    %dma_start3A_285 = tpu.memref_slice %arg2[%select_n3A, %add3A_278, %mul3A_118] : memref<4x2048x4096xf32, #tpu.memory_space<hbm>> -> memref<1x64x512xf32, #tpu.memory_space<hbm>>
    %dma_start3A_286 = tpu.memref_squeeze %dma_start3A_285 : memref<1x64x512xf32, #tpu.memory_space<hbm>> -> memref<64x512xf32, #tpu.memory_space<hbm>>
    %dma_start3A_287 = tpu.memref_slice %arg7[%dma_start3A_280] : memref<3x!tpu.dma_semaphore, #tpu.memory_space<semaphore_mem>> -> memref<1x!tpu.dma_semaphore, #tpu.memory_space<semaphore_mem>>
    %dma_start3A_288 = tpu.memref_squeeze %dma_start3A_287 : memref<1x!tpu.dma_semaphore, #tpu.memory_space<semaphore_mem>> -> memref<!tpu.dma_semaphore, #tpu.memory_space<semaphore_mem>>
    %dma_start3A_289 = arith.constant 0 : i32
    %dma_start3A_290 = arith.constant 0 : i32
    %dma_start3A_291 = tpu.memref_slice %arg6[%dma_start3A_279, %dma_start3A_289, %dma_start3A_290] : memref<3x64x512xf32, #tpu.memory_space<vmem>> -> memref<1x64x512xf32, #tpu.memory_space<vmem>>
    %dma_start3A_292 = tpu.memref_squeeze %dma_start3A_291 : memref<1x64x512xf32, #tpu.memory_space<vmem>> -> memref<64x512xf32, #tpu.memory_space<vmem>>
    %dma_start3A_293 = tpu.memref_slice %arg2[%select_n3A, %add3A_278, %mul3A_118] : memref<4x2048x4096xf32, #tpu.memory_space<hbm>> -> memref<1x64x512xf32, #tpu.memory_space<hbm>>
    %dma_start3A_294 = tpu.memref_squeeze %dma_start3A_293 : memref<1x64x512xf32, #tpu.memory_space<hbm>> -> memref<64x512xf32, #tpu.memory_space<hbm>>
    tpu.enqueue_dma source(%dma_start3A_294 : memref<64x512xf32, #tpu.memory_space<hbm>>) target(%dma_start3A_292 : memref<64x512xf32, #tpu.memory_space<vmem>>) target_semaphore(%dma_start3A_288 : memref<!tpu.dma_semaphore, #tpu.memory_space<semaphore_mem>>)
    %add3A_295 = arith.constant 128 : i32
    %add3A_296 = arith.addi %mul3A_32, %add3A_295 : i32
    %dma_start3A_297 = arith.constant 2 : i32
    %dma_start3A_298 = arith.constant 2 : i32
    %dma_start3A_299 = arith.constant 0 : i32
    %dma_start3A_300 = arith.constant 0 : i32
    %dma_start3A_301 = tpu.memref_slice %arg6[%dma_start3A_297, %dma_start3A_299, %dma_start3A_300] : memref<3x64x512xf32, #tpu.memory_space<vmem>> -> memref<1x64x512xf32, #tpu.memory_space<vmem>>
    %dma_start3A_302 = tpu.memref_squeeze %dma_start3A_301 : memref<1x64x512xf32, #tpu.memory_space<vmem>> -> memref<64x512xf32, #tpu.memory_space<vmem>>
    %dma_start3A_303 = arith.constant 0 : i32
    %dma_start3A_304 = tpu.memref_slice %arg4[%select_n3A, %add3A_296, %dma_start3A_303] : memref<4x2048x512xf32, #tpu.memory_space<hbm>> -> memref<1x64x512xf32, #tpu.memory_space<hbm>>
    %dma_start3A_305 = tpu.memref_squeeze %dma_start3A_304 : memref<1x64x512xf32, #tpu.memory_space<hbm>> -> memref<64x512xf32, #tpu.memory_space<hbm>>
    %dma_start3A_306 = tpu.memref_slice %arg8[%dma_start3A_298] : memref<3x!tpu.dma_semaphore, #tpu.memory_space<semaphore_mem>> -> memref<1x!tpu.dma_semaphore, #tpu.memory_space<semaphore_mem>>
    %dma_start3A_307 = tpu.memref_squeeze %dma_start3A_306 : memref<1x!tpu.dma_semaphore, #tpu.memory_space<semaphore_mem>> -> memref<!tpu.dma_semaphore, #tpu.memory_space<semaphore_mem>>
    %dma_start3A_308 = arith.constant 0 : i32
    %dma_start3A_309 = tpu.memref_slice %arg4[%select_n3A, %add3A_296, %dma_start3A_308] : memref<4x2048x512xf32, #tpu.memory_space<hbm>> -> memref<1x64x512xf32, #tpu.memory_space<hbm>>
    %dma_start3A_310 = tpu.memref_squeeze %dma_start3A_309 : memref<1x64x512xf32, #tpu.memory_space<hbm>> -> memref<64x512xf32, #tpu.memory_space<hbm>>
    %dma_start3A_311 = arith.constant 0 : i32
    %dma_start3A_312 = arith.constant 0 : i32
    %dma_start3A_313 = tpu.memref_slice %arg6[%dma_start3A_297, %dma_start3A_311, %dma_start3A_312] : memref<3x64x512xf32, #tpu.memory_space<vmem>> -> memref<1x64x512xf32, #tpu.memory_space<vmem>>
    %dma_start3A_314 = tpu.memref_squeeze %dma_start3A_313 : memref<1x64x512xf32, #tpu.memory_space<vmem>> -> memref<64x512xf32, #tpu.memory_space<vmem>>
    tpu.enqueue_dma source(%dma_start3A_314 : memref<64x512xf32, #tpu.memory_space<vmem>>) target(%dma_start3A_310 : memref<64x512xf32, #tpu.memory_space<hbm>>) target_semaphore(%dma_start3A_307 : memref<!tpu.dma_semaphore, #tpu.memory_space<semaphore_mem>>)
    %dma_wait3A_315 = arith.constant 0 : i32
    %dma_wait3A_316 = arith.constant 0 : i32
    %dma_wait3A_317 = arith.constant 0 : i32
    %dma_wait3A_318 = arith.constant 0 : i32
    %dma_wait3A_319 = tpu.memref_slice %arg6[%dma_wait3A_315, %dma_wait3A_317, %dma_wait3A_318] : memref<3x64x512xf32, #tpu.memory_space<vmem>> -> memref<1x64x512xf32, #tpu.memory_space<vmem>>
    %dma_wait3A_320 = tpu.memref_squeeze %dma_wait3A_319 : memref<1x64x512xf32, #tpu.memory_space<vmem>> -> memref<64x512xf32, #tpu.memory_space<vmem>>
    %dma_wait3A_321 = tpu.memref_slice %arg2[%select_n3A, %add3A_278, %mul3A_118] : memref<4x2048x4096xf32, #tpu.memory_space<hbm>> -> memref<1x64x512xf32, #tpu.memory_space<hbm>>
    %dma_wait3A_322 = tpu.memref_squeeze %dma_wait3A_321 : memref<1x64x512xf32, #tpu.memory_space<hbm>> -> memref<64x512xf32, #tpu.memory_space<hbm>>
    %dma_wait3A_323 = tpu.memref_slice %arg7[%dma_wait3A_316] : memref<3x!tpu.dma_semaphore, #tpu.memory_space<semaphore_mem>> -> memref<1x!tpu.dma_semaphore, #tpu.memory_space<semaphore_mem>>
    %dma_wait3A_324 = tpu.memref_squeeze %dma_wait3A_323 : memref<1x!tpu.dma_semaphore, #tpu.memory_space<semaphore_mem>> -> memref<!tpu.dma_semaphore, #tpu.memory_space<semaphore_mem>>
    %dma_wait3A_325 = arith.constant 0 : i32
    %dma_wait3A_326 = arith.constant 0 : i32
    %dma_wait3A_327 = tpu.memref_slice %arg6[%dma_wait3A_315, %dma_wait3A_325, %dma_wait3A_326] : memref<3x64x512xf32, #tpu.memory_space<vmem>> -> memref<1x64x512xf32, #tpu.memory_space<vmem>>
    %dma_wait3A_328 = tpu.memref_squeeze %dma_wait3A_327 : memref<1x64x512xf32, #tpu.memory_space<vmem>> -> memref<64x512xf32, #tpu.memory_space<vmem>>
    %dma_wait3A_329 = tpu.memref_slice %arg2[%select_n3A, %add3A_278, %mul3A_118] : memref<4x2048x4096xf32, #tpu.memory_space<hbm>> -> memref<1x64x512xf32, #tpu.memory_space<hbm>>
    %dma_wait3A_330 = tpu.memref_squeeze %dma_wait3A_329 : memref<1x64x512xf32, #tpu.memory_space<hbm>> -> memref<64x512xf32, #tpu.memory_space<hbm>>
    tpu.wait_dma2 semaphore(%dma_wait3A_324 : memref<!tpu.dma_semaphore, #tpu.memory_space<semaphore_mem>>) src(%dma_wait3A_330 : memref<64x512xf32, #tpu.memory_space<hbm>>) dst(%dma_wait3A_328 : memref<64x512xf32, #tpu.memory_space<vmem>>)
    %add3A_331 = arith.constant 192 : i32
    %add3A_332 = arith.addi %mul3A_32, %add3A_331 : i32
    %dma_start3A_333 = arith.constant 0 : i32
    %dma_start3A_334 = arith.constant 0 : i32
    %dma_start3A_335 = arith.constant 0 : i32
    %dma_start3A_336 = arith.constant 0 : i32
    %dma_start3A_337 = tpu.memref_slice %arg6[%dma_start3A_333, %dma_start3A_335, %dma_start3A_336] : memref<3x64x512xf32, #tpu.memory_space<vmem>> -> memref<1x64x512xf32, #tpu.memory_space<vmem>>
    %dma_start3A_338 = tpu.memref_squeeze %dma_start3A_337 : memref<1x64x512xf32, #tpu.memory_space<vmem>> -> memref<64x512xf32, #tpu.memory_space<vmem>>
    %dma_start3A_339 = arith.constant 0 : i32
    %dma_start3A_340 = tpu.memref_slice %arg4[%select_n3A, %add3A_332, %dma_start3A_339] : memref<4x2048x512xf32, #tpu.memory_space<hbm>> -> memref<1x64x512xf32, #tpu.memory_space<hbm>>
    %dma_start3A_341 = tpu.memref_squeeze %dma_start3A_340 : memref<1x64x512xf32, #tpu.memory_space<hbm>> -> memref<64x512xf32, #tpu.memory_space<hbm>>
    %dma_start3A_342 = tpu.memref_slice %arg8[%dma_start3A_334] : memref<3x!tpu.dma_semaphore, #tpu.memory_space<semaphore_mem>> -> memref<1x!tpu.dma_semaphore, #tpu.memory_space<semaphore_mem>>
    %dma_start3A_343 = tpu.memref_squeeze %dma_start3A_342 : memref<1x!tpu.dma_semaphore, #tpu.memory_space<semaphore_mem>> -> memref<!tpu.dma_semaphore, #tpu.memory_space<semaphore_mem>>
    %dma_start3A_344 = arith.constant 0 : i32
    %dma_start3A_345 = tpu.memref_slice %arg4[%select_n3A, %add3A_332, %dma_start3A_344] : memref<4x2048x512xf32, #tpu.memory_space<hbm>> -> memref<1x64x512xf32, #tpu.memory_space<hbm>>
    %dma_start3A_346 = tpu.memref_squeeze %dma_start3A_345 : memref<1x64x512xf32, #tpu.memory_space<hbm>> -> memref<64x512xf32, #tpu.memory_space<hbm>>
    %dma_start3A_347 = arith.constant 0 : i32
    %dma_start3A_348 = arith.constant 0 : i32
    %dma_start3A_349 = tpu.memref_slice %arg6[%dma_start3A_333, %dma_start3A_347, %dma_start3A_348] : memref<3x64x512xf32, #tpu.memory_space<vmem>> -> memref<1x64x512xf32, #tpu.memory_space<vmem>>
    %dma_start3A_350 = tpu.memref_squeeze %dma_start3A_349 : memref<1x64x512xf32, #tpu.memory_space<vmem>> -> memref<64x512xf32, #tpu.memory_space<vmem>>
    tpu.enqueue_dma source(%dma_start3A_350 : memref<64x512xf32, #tpu.memory_space<vmem>>) target(%dma_start3A_346 : memref<64x512xf32, #tpu.memory_space<hbm>>) target_semaphore(%dma_start3A_343 : memref<!tpu.dma_semaphore, #tpu.memory_space<semaphore_mem>>)
    %dma_wait3A_351 = arith.constant 1 : i32
    %dma_wait3A_352 = arith.constant 1 : i32
    %dma_wait3A_353 = arith.constant 0 : i32
    %dma_wait3A_354 = arith.constant 0 : i32
    %dma_wait3A_355 = tpu.memref_slice %arg6[%dma_wait3A_351, %dma_wait3A_353, %dma_wait3A_354] : memref<3x64x512xf32, #tpu.memory_space<vmem>> -> memref<1x64x512xf32, #tpu.memory_space<vmem>>
    %dma_wait3A_356 = tpu.memref_squeeze %dma_wait3A_355 : memref<1x64x512xf32, #tpu.memory_space<vmem>> -> memref<64x512xf32, #tpu.memory_space<vmem>>
    %dma_wait3A_357 = arith.constant 0 : i32
    %dma_wait3A_358 = tpu.memref_slice %arg4[%select_n3A, %add3A_224, %dma_wait3A_357] : memref<4x2048x512xf32, #tpu.memory_space<hbm>> -> memref<1x64x512xf32, #tpu.memory_space<hbm>>
    %dma_wait3A_359 = tpu.memref_squeeze %dma_wait3A_358 : memref<1x64x512xf32, #tpu.memory_space<hbm>> -> memref<64x512xf32, #tpu.memory_space<hbm>>
    %dma_wait3A_360 = tpu.memref_slice %arg8[%dma_wait3A_352] : memref<3x!tpu.dma_semaphore, #tpu.memory_space<semaphore_mem>> -> memref<1x!tpu.dma_semaphore, #tpu.memory_space<semaphore_mem>>
    %dma_wait3A_361 = tpu.memref_squeeze %dma_wait3A_360 : memref<1x!tpu.dma_semaphore, #tpu.memory_space<semaphore_mem>> -> memref<!tpu.dma_semaphore, #tpu.memory_space<semaphore_mem>>
    %dma_wait3A_362 = arith.constant 0 : i32
    %dma_wait3A_363 = tpu.memref_slice %arg4[%select_n3A, %add3A_224, %dma_wait3A_362] : memref<4x2048x512xf32, #tpu.memory_space<hbm>> -> memref<1x64x512xf32, #tpu.memory_space<hbm>>
    %dma_wait3A_364 = tpu.memref_squeeze %dma_wait3A_363 : memref<1x64x512xf32, #tpu.memory_space<hbm>> -> memref<64x512xf32, #tpu.memory_space<hbm>>
    %dma_wait3A_365 = arith.constant 0 : i32
    %dma_wait3A_366 = arith.constant 0 : i32
    %dma_wait3A_367 = tpu.memref_slice %arg6[%dma_wait3A_351, %dma_wait3A_365, %dma_wait3A_366] : memref<3x64x512xf32, #tpu.memory_space<vmem>> -> memref<1x64x512xf32, #tpu.memory_space<vmem>>
    %dma_wait3A_368 = tpu.memref_squeeze %dma_wait3A_367 : memref<1x64x512xf32, #tpu.memory_space<vmem>> -> memref<64x512xf32, #tpu.memory_space<vmem>>
    tpu.wait_dma2 semaphore(%dma_wait3A_361 : memref<!tpu.dma_semaphore, #tpu.memory_space<semaphore_mem>>) src(%dma_wait3A_368 : memref<64x512xf32, #tpu.memory_space<vmem>>) dst(%dma_wait3A_364 : memref<64x512xf32, #tpu.memory_space<hbm>>)
    %dma_wait3A_369 = arith.constant 2 : i32
    %dma_wait3A_370 = arith.constant 2 : i32
    %dma_wait3A_371 = arith.constant 0 : i32
    %dma_wait3A_372 = arith.constant 0 : i32
    %dma_wait3A_373 = tpu.memref_slice %arg6[%dma_wait3A_369, %dma_wait3A_371, %dma_wait3A_372] : memref<3x64x512xf32, #tpu.memory_space<vmem>> -> memref<1x64x512xf32, #tpu.memory_space<vmem>>
    %dma_wait3A_374 = tpu.memref_squeeze %dma_wait3A_373 : memref<1x64x512xf32, #tpu.memory_space<vmem>> -> memref<64x512xf32, #tpu.memory_space<vmem>>
    %dma_wait3A_375 = arith.constant 0 : i32
    %dma_wait3A_376 = tpu.memref_slice %arg4[%select_n3A, %add3A_296, %dma_wait3A_375] : memref<4x2048x512xf32, #tpu.memory_space<hbm>> -> memref<1x64x512xf32, #tpu.memory_space<hbm>>
    %dma_wait3A_377 = tpu.memref_squeeze %dma_wait3A_376 : memref<1x64x512xf32, #tpu.memory_space<hbm>> -> memref<64x512xf32, #tpu.memory_space<hbm>>
    %dma_wait3A_378 = tpu.memref_slice %arg8[%dma_wait3A_370] : memref<3x!tpu.dma_semaphore, #tpu.memory_space<semaphore_mem>> -> memref<1x!tpu.dma_semaphore, #tpu.memory_space<semaphore_mem>>
    %dma_wait3A_379 = tpu.memref_squeeze %dma_wait3A_378 : memref<1x!tpu.dma_semaphore, #tpu.memory_space<semaphore_mem>> -> memref<!tpu.dma_semaphore, #tpu.memory_space<semaphore_mem>>
    %dma_wait3A_380 = arith.constant 0 : i32
    %dma_wait3A_381 = tpu.memref_slice %arg4[%select_n3A, %add3A_296, %dma_wait3A_380] : memref<4x2048x512xf32, #tpu.memory_space<hbm>> -> memref<1x64x512xf32, #tpu.memory_space<hbm>>
    %dma_wait3A_382 = tpu.memref_squeeze %dma_wait3A_381 : memref<1x64x512xf32, #tpu.memory_space<hbm>> -> memref<64x512xf32, #tpu.memory_space<hbm>>
    %dma_wait3A_383 = arith.constant 0 : i32
    %dma_wait3A_384 = arith.constant 0 : i32
    %dma_wait3A_385 = tpu.memref_slice %arg6[%dma_wait3A_369, %dma_wait3A_383, %dma_wait3A_384] : memref<3x64x512xf32, #tpu.memory_space<vmem>> -> memref<1x64x512xf32, #tpu.memory_space<vmem>>
    %dma_wait3A_386 = tpu.memref_squeeze %dma_wait3A_385 : memref<1x64x512xf32, #tpu.memory_space<vmem>> -> memref<64x512xf32, #tpu.memory_space<vmem>>
    tpu.wait_dma2 semaphore(%dma_wait3A_379 : memref<!tpu.dma_semaphore, #tpu.memory_space<semaphore_mem>>) src(%dma_wait3A_386 : memref<64x512xf32, #tpu.memory_space<vmem>>) dst(%dma_wait3A_382 : memref<64x512xf32, #tpu.memory_space<hbm>>)
    %dma_wait3A_387 = arith.constant 0 : i32
    %dma_wait3A_388 = arith.constant 0 : i32
    %dma_wait3A_389 = arith.constant 0 : i32
    %dma_wait3A_390 = arith.constant 0 : i32
    %dma_wait3A_391 = tpu.memref_slice %arg6[%dma_wait3A_387, %dma_wait3A_389, %dma_wait3A_390] : memref<3x64x512xf32, #tpu.memory_space<vmem>> -> memref<1x64x512xf32, #tpu.memory_space<vmem>>
    %dma_wait3A_392 = tpu.memref_squeeze %dma_wait3A_391 : memref<1x64x512xf32, #tpu.memory_space<vmem>> -> memref<64x512xf32, #tpu.memory_space<vmem>>
    %dma_wait3A_393 = arith.constant 0 : i32
    %dma_wait3A_394 = tpu.memref_slice %arg4[%select_n3A, %add3A_332, %dma_wait3A_393] : memref<4x2048x512xf32, #tpu.memory_space<hbm>> -> memref<1x64x512xf32, #tpu.memory_space<hbm>>
    %dma_wait3A_395 = tpu.memref_squeeze %dma_wait3A_394 : memref<1x64x512xf32, #tpu.memory_space<hbm>> -> memref<64x512xf32, #tpu.memory_space<hbm>>
    %dma_wait3A_396 = tpu.memref_slice %arg8[%dma_wait3A_388] : memref<3x!tpu.dma_semaphore, #tpu.memory_space<semaphore_mem>> -> memref<1x!tpu.dma_semaphore, #tpu.memory_space<semaphore_mem>>
    %dma_wait3A_397 = tpu.memref_squeeze %dma_wait3A_396 : memref<1x!tpu.dma_semaphore, #tpu.memory_space<semaphore_mem>> -> memref<!tpu.dma_semaphore, #tpu.memory_space<semaphore_mem>>
    %dma_wait3A_398 = arith.constant 0 : i32
    %dma_wait3A_399 = tpu.memref_slice %arg4[%select_n3A, %add3A_332, %dma_wait3A_398] : memref<4x2048x512xf32, #tpu.memory_space<hbm>> -> memref<1x64x512xf32, #tpu.memory_space<hbm>>
    %dma_wait3A_400 = tpu.memref_squeeze %dma_wait3A_399 : memref<1x64x512xf32, #tpu.memory_space<hbm>> -> memref<64x512xf32, #tpu.memory_space<hbm>>
    %dma_wait3A_401 = arith.constant 0 : i32
    %dma_wait3A_402 = arith.constant 0 : i32
    %dma_wait3A_403 = tpu.memref_slice %arg6[%dma_wait3A_387, %dma_wait3A_401, %dma_wait3A_402] : memref<3x64x512xf32, #tpu.memory_space<vmem>> -> memref<1x64x512xf32, #tpu.memory_space<vmem>>
    %dma_wait3A_404 = tpu.memref_squeeze %dma_wait3A_403 : memref<1x64x512xf32, #tpu.memory_space<vmem>> -> memref<64x512xf32, #tpu.memory_space<vmem>>
    tpu.wait_dma2 semaphore(%dma_wait3A_397 : memref<!tpu.dma_semaphore, #tpu.memory_space<semaphore_mem>>) src(%dma_wait3A_404 : memref<64x512xf32, #tpu.memory_space<vmem>>) dst(%dma_wait3A_400 : memref<64x512xf32, #tpu.memory_space<hbm>>)
    return
  }
}

</mosaic_0001>

<sc_bundles>
// kernel: kernel.3.cloned.1.call-start
scs
__scs_entry_jumppad:
0x0: {  	(pc) =	sbr.rel $0x88, $3  }
0x1: {  	(tag) =	ssettag $0x0;
	lr =	simm.s32 $0x1  }
0x2: {  	[smem:$0x3F9F] =	sst lr;
	_ =	strace $0xD0000000  }
0x3: {  	_ = 	snop  }
0x4: {  	_ = 	snop  }
0x5: {  	_ = 	snop  }
0x6: {  	_ = 	snop  }
0x7: {  	_ = 	snop  }
__scs_overlays_trampoline_lowered:
0x8: {  	[smem:$0x3FAE] =	sst s0  }
0x9: {  	[smem:$0x3FAF] =	sst s1  }
0xa: {  	[smem:$0x3FB0] =	sst s2  }
0xb: {  	[smem:$0x3FB1] =	sst s3  }
0xc: {  	[smem:$0x3FB2] =	sst s4  }
0xd: {  	[smem:$0x3FB3] =	sst s5  }
0xe: {  	[smem:$0x3FB4] =	sst s6  }
0xf: {  	[smem:$0x3FB5] =	sst s7  }
0x10: {  	[smem:$0x3FB6] =	sst s8  }
0x11: {  	[smem:$0x3FB7] =	sst s9;
	s0 =	simm.s32 @!p0 $0x0  }
0x12: {  	s1 =	sld [smem:$0x3F9D];
	s0 =	simm.s32 @p0 $0x1  }
0x13: {  	[smem:$0x3FB8] =	sst s0;
	s0 =	simm.s32 @!p1 $0x0  }
0x14: {  	s2 =	sld [smem:$0x3F9C];
	s0 =	simm.s32 @p1 $0x1  }
0x15: {  	[smem:$0x3FB9] =	sst s0;
	s0 =	simm.s32 @!p2 $0x0  }
0x16: {  	s3 =	sld [smem:$0x3FDB];
	s0 =	simm.s32 @p2 $0x1  }
0x17: {  	s4 =	simm.s32 $0x1BF5;
	[smem:$0x3FBB] =	sst s0  }
0x18: {  	s0 =	sld [smem:$0x3F9E];
	_ =	swait.ge [sflag:s4], $0x0  }
0x19: {  	s7 =	sld [smem:$0x3F9F]  }
0x1a: {  	s8 =	sadd.s32 $0xFFFFE003, lr  }
0x1b: {  	s9 =	sadd.s32 $0xFFFFFEF7, lr;
	s5 =	simm.s32 $0xFFFFFFFF;
	p2 =	slt.u32 s8, $0xFFFFF086  }
0x1c: {  	p1 =	slt.u32 s9, $0xF7A;
	s5 =	simm.s32 @!p2 $0x0  }
0x1d: {  	s5 =	simm.s32 @p1 $0x1;
	p0 =	seq.s32 s7, s2  }
0x1e: {  	s7 =	smul.u32 @!p0 $0xF7A, s2;
	p2 =	seq.s32 @!p0 s5, $0x0  }
0x1f: {  	s9 =	smul.u32 $0xF7A, s1;
	s8 =	simm.s32 @!p0 $0x1BF5;
	p2 =	por !p2, p0  }
0x20: {  	[sflag:s8] =	ssyncset.s32 @!p0 $0xFFFFF086;
	s6 =	sadd.s32 @!p0 s3, s7;
	s7 =	simm.s32 @!p0 $0x108  }
0x21: {  	s3 =	sadd.s32 s3, s9;
	s6 =	sadd.s32 @!p0 $0x88, s6;
	s7 =	simm.s32 @p2 $0x1082  }
0x22: {  	[simem:s7], [sflag:s8] =	dma.local @!p0 [hbm:s6], $0xF7A  }
0x23: {  	s9 =	sor.u32 $0xD0000000, s2;
	s6 =	simm.s32 $0x108;
	_ =	swait.ge @!p0 [sflag:s8], $0x0  }
0x24: {  	s3 =	sadd.s32 $0x88, s3;
	s6 =	simm.s32 @!p1 $0x1082;
	[sflag:s4] =	ssyncset.s32 $0xFFFFF086  }
0x25: {  	[simem:s6], [sflag:s4] =	dma.local [hbm:s3], $0xF7A  }
0x26: {  	[smem:$0x3F9F] =	sst s1;
	(tag) =	ssettag s2;
	_ =	strace s9  }
0x27: {  	s1 =	sld [smem:$0x3FAF]  }
0x28: {  	s2 =	sld [smem:$0x3FB0]  }
0x29: {  	s4 =	sld [smem:$0x3FB2]  }
0x2a: {  	p0 =	seq.s32 s5, $0x0;
	s5 =	sld [smem:$0x3FB3]  }
0x2b: {  	s6 =	sld [smem:$0x3FB4]  }
0x2c: {  	s7 =	sld [smem:$0x3FB5]  }
0x2d: {  	s3 =	simm.s32 $0x108;
	s8 =	sld [smem:$0x3FB6]  }
0x2e: {  	s3 =	simm.s32 @!p0 $0x1082;
	s9 =	sld [smem:$0x3FB7]  }
0x2f: {  	lr =	sadd.s32 s0, s3;
	s0 =	sld [smem:$0x3FAE]  }
0x30: {  	s3 =	sld [smem:$0x3FB1]  }
0x31: {  	[smem:$0x3FBA] =	sst s10  }
0x32: {  	s10 =	sld [smem:$0x3FB8];
	_ =	sdelay $0x3  }
0x33: {  	p0 =	seq.s32 s10, $0x1;
	s10 =	sld [smem:$0x3FBA];
	_ =	sdelay $0x3  }
0x34: {  	[smem:$0x3FBA] =	sst s10  }
0x35: {  	s10 =	sld [smem:$0x3FB9];
	_ =	sdelay $0x3  }
0x36: {  	p1 =	seq.s32 s10, $0x1;
	s10 =	sld [smem:$0x3FBA];
	_ =	sdelay $0x3  }
0x37: {  	[smem:$0x3FBA] =	sst s10  }
0x38: {  	s10 =	sld [smem:$0x3FBB]  }
0x39: {  	_ = 	snop;
	(pc) =	sbr.ind lr, $3  }
0x3a: {  	_ = 	snop  }
0x3b: {  	_ = 	snop  }
0x3c: {  	p2 =	seq.s32 s10, $0x1;
	s10 =	sld [smem:$0x3FBA]  }
0x3d: {  	_ =	shalt  }
0x3e: {  	_ =	shalt  }
0x3f: {  	_ =	shalt  }
0x40: {  	_ =	shalt  }
0x41: {  	_ =	shalt  }
0x42: {  	_ =	shalt  }
0x43: {  	_ =	shalt  }
0x44: {  	_ =	shalt  }
0x45: {  	_ =	shalt  }
0x46: {  	_ =	shalt  }
0x47: {  	_ =	shalt  }
0x48: {  	_ =	shalt  }
0x49: {  	_ =	shalt  }
0x4a: {  	_ =	shalt  }
0x4b: {  	_ =	shalt  }
0x4c: {  	_ =	shalt  }
0x4d: {  	_ =	shalt  }
0x4e: {  	_ =	shalt  }
0x4f: {  	_ =	shalt  }
0x50: {  	_ =	shalt  }
0x51: {  	_ =	shalt  }
0x52: {  	_ =	shalt  }
0x53: {  	_ =	shalt  }
0x54: {  	_ =	shalt  }
0x55: {  	_ =	shalt  }
0x56: {  	_ =	shalt  }
0x57: {  	_ =	shalt  }
0x58: {  	_ =	shalt  }
0x59: {  	_ =	shalt  }
0x5a: {  	_ =	shalt  }
0x5b: {  	_ =	shalt  }
0x5c: {  	_ =	shalt  }
0x5d: {  	_ =	shalt  }
0x5e: {  	_ =	shalt  }
0x5f: {  	_ =	shalt  }
0x60: {  	_ =	shalt  }
0x61: {  	_ =	shalt  }
0x62: {  	_ =	shalt  }
0x63: {  	_ =	shalt  }
0x64: {  	_ =	shalt  }
0x65: {  	_ =	shalt  }
0x66: {  	_ =	shalt  }
0x67: {  	_ =	shalt  }
0x68: {  	_ =	shalt  }
0x69: {  	_ =	shalt  }
0x6a: {  	_ =	shalt  }
0x6b: {  	_ =	shalt  }
0x6c: {  	_ =	shalt  }
0x6d: {  	_ =	shalt  }
0x6e: {  	_ =	shalt  }
0x6f: {  	_ =	shalt  }
0x70: {  	_ =	shalt  }
0x71: {  	_ =	shalt  }
0x72: {  	_ =	shalt  }
0x73: {  	_ =	shalt  }
0x74: {  	_ =	shalt  }
0x75: {  	_ =	shalt  }
0x76: {  	_ =	shalt  }
0x77: {  	_ =	shalt  }
0x78: {  	_ =	shalt  }
0x79: {  	_ =	shalt  }
0x7a: {  	_ =	shalt  }
0x7b: {  	_ =	shalt  }
0x7c: {  	_ =	shalt  }
0x7d: {  	_ =	shalt  }
0x7e: {  	_ =	shalt  }
0x7f: {  	_ =	shalt  }
0x80: {  	_ =	shalt  }
0x81: {  	_ =	shalt  }
0x82: {  	_ =	shalt  }
0x83: {  	_ =	shalt  }
0x84: {  	_ =	shalt  }
0x85: {  	_ =	shalt  }
0x86: {  	_ =	shalt  }
0x87: {  	_ =	shalt  }
.Lfunc_end0:
.L_simem_size_0:
called_computation_lowered:
.L_overlay_start_0:
0x88: {  	s2 =	sld [smem:$0x3FD9]  }
0x89: {  	s3 =	sld [smem:$0x3FFE];
	_ =	sdelay $0x1  }
0x8a: {  	s1 =	srdreg.scid  }
0x8b: {  	s0 =	sand.u32 $0x1, s1  }
0x8c: {  	s17 =	sshll.u32 s0, $0xA;
	s2 =	sadd.s32 s3, s2  }
0x8d: {  	s2 =	sadd.s32 s2, s17  }
0x8e: {  	[smem:$0x3FC6] =	sst s2  }
0x8f: {  	_ = 	snop  }
0x90: {  	s2 =	sld [smem:$0x3FC9]  }
0x91: {  	s18 =	sld [smem:$0x3FD0];
	(tm) =	ssettm $0x1  }
0x92: {  	s4 =	sld [smem:$0x3FFB];
	_ =	sdelay $0x3  }
0x93: {  	_ =	strace s4  }
0x94: {  	s4 =	sld [smem:$0x3FFC];
	_ =	sdelay $0x3  }
0x95: {  	_ =	strace s4  }
0x96: {  	s4 =	sld [smem:$0x3FFD];
	_ =	sdelay $0x3  }
0x97: {  	_ =	strace s4  }
0x98: {  	_ =	strace $0x8FFFFFFF  }
0x99: {  	s19 =	sld [smem:$0x3FDB];
	_ =	sdelay $0x1  }
0x9a: {  	s5 =	simm.s32 $_scs_section_size  }
0x9b: {  	s6 =	simm.s32 $_size__tile_overlayer_lowered;
	s7 =	simm.s32 $_tile_overlayer_lowered  }
0x9c: {  	s22 =	simm.s32 $0x1BFF;
	s21 =	sshll.u32 s7, $0x1;
	s4 =	sadd.s32 s5, s19  }
0x9d: {  	s8 =	simm.s32 $0x0;
	s20 =	sshll.u32 s6, $0x1;
	s6 =	sadd.s32 s21, s4  }
0x9e: {  	[timem:s8], [sflag:s22] =	dma.local [hbm:s6], s20  }
0x9f: {  	_ =	swait.ge [sflag:s22], s20  }
0xa0: {  	s5 =	ssub.s32 $0x0, s20;
	[sflag:s22] =	ssyncset.done $0x0  }
0xa1: {  	[sflag:s22] =	ssyncadd.s32 s5;
	_ =	sdelay $0x1  }
0xa2: {  	s23 =	simm.s32 $0x1B8B  }
0xa3: {  	_ =	swait.ge [sflag:s23], $0x1  }
0xa4: {  	[sflag:s23] =	ssyncset.done $0x0  }
0xa5: {  	s25 =	simm.s32 $0x1B8E;
	s24 =	sld [smem:$0x3FFE];
	[sflag:s23] =	ssyncadd.s32 $0xFFFFFFFF  }
0xa6: {  	s26 =	simm.s32 $execute0_lowered;
	[smem:$0x3FD2] =	sst s25  }
0xa7: {  	s6 =	sshll.u32 s26, $0x1;
	_ =	strace $0x80000046;
	[dreg:$0x1] =	wrdreg $0xFFFFFFFF  }
0xa8: {  	s28 =	simm.s32 $_size_execute0_lowered;
	s4 =	sadd.s32 s4, s6;
	[dreg:$0x0] =	wrdreg $0x0  }
0xa9: {  	s6 =	sshll.u32 s28, $0x1;
	[dreg:$0x2] =	wrdreg s4  }
0xaa: {  	[dreg:$0x3] =	wrdreg s6  }
0xab: {  	[dreg:$0x4] =	wrdreg $0xC0  }
0xac: {  	_ =	task [dreg:s8], $0x5FFFF  }
0xad: {  	[dreg:$0x1] =	wrdreg $0xFFFFFFFF  }
0xae: {  	[dreg:$0x0] =	wrdreg $0x60  }
0xaf: {  	[dreg:$0x2] =	wrdreg s2  }
0xb0: {  	[dreg:$0x3] =	wrdreg s24  }
0xb1: {  	[dreg:$0x4] =	wrdreg s18  }
0xb2: {  	[dreg:$0x5] =	wrdreg $0x9  }
0xb3: {  	_ =	task.clear_ibuf [dreg:s8], $0x6FFFF;
	_ =	strace $0x90000046  }
0xb4: {  	s29 =	simm.s32 $0x9;
	_ =	strace $0x80000048  }
0xb5: {  	_ =	swait.ge [sflag:s29], $0x1  }
0xb6: {  	[sflag:s29] =	ssyncadd.s32 $0xFFFFFFFF  }
0xb7: {  	_ =	strace $0x90000048  }
0xb8: {  	_ =	sfence  }
0xb9: {  	s30 =	sld [smem:$0x0];
	_ =	sdelay $0x2  }
0xba: {  	s31 =	sshll.u32 s1, $0xD;
	s1 =	sshrl.u32 s1, $0x2  }
0xbb: {  	s3 =	sand.u32 $0x4000, s31;
	s1 =	sadd.s32 s1, s30  }
0xbc: {  	s0 =	sor.u32 s3, s0;
	s1 =	sshll.u32 s1, $0x11  }
0xbd: {  	s0 =	sor.u32 s1, s0  }
0xbe: {  	s0 =	sadd.s32 $0x8F2B, s0  }
0xbf: {  	[sflag:s0] =	ssyncadd.remote.s32 $0x1  }
0xc0: {  	_ =	sfence.sel $0xFFFF  }
0xc1: {  	[dreg:$0x0] =	wrdreg $0xFFFFFFFF;
	(pc) =	sbr.abs _section_cstart, $3  }
0xc2: {  	[dreg:$0x1] =	wrdreg $0xFFFFFFFF  }
0xc3: {  	_ =	task.clear_ibuf [dreg:s8], $0x2FFFF;
	_ =	strace $0x9FFFFFFF  }
0xc4: {  	(tm) =	ssettm $0x7FFFFFFF  }
0xc5: {  	_ =	shalt  }
tec
execute0_lowered:
.L_overlay_start_1:
0x0: {  	(tag) =	ssettag $0x1  }
0x1: {  	s3 =	rddreg [dreg:$0x0]  }
0x2: {  	s5 =	rddreg [dreg:$0x1]  }
0x3: {  	s4 =	rddreg [dreg:$0x2]  }
0x4: {  	s0 =	rddreg [dreg:$0x3];
	s2 =	simm.s32 $0x0  }
0x5: {  	s1 =	stileid.u32;
	s6 =	srdreg.scid;
	s17 =	simm.s32 $0x10  }
0x6: {  	s18 =	simm.s32 $0x7;
	s14 =	simm.s32 $0x8080;
	s16 =	simm.s32 $0x2  }
0x7: {  	s15 =	simm.s32 $0x3;
	[smem:$0x7FF] =	sst s2;
	s7 =	sshll.u32 s1, $0x1  }
0x8: {  	s5 =	sadd.s32 $0x400, s5;
	s6 =	sand.u32 $0x1, s6;
	s19 =	sshrl.u32 s1, $0x2  }
0x9: {  	p0 =	sgt.u32 s1, $0x7;
	_ =	strace $0x80000047;
	s7 =	sand.u32 $0x6, s7  }
0xa: {  	[dreg:$0x4] =	wrdreg s5;
	s9 =	sshll.u32 s19, $0x17;
	s13 =	sshll.u32 s19, $0x14  }
0xb: {  	s25 =	sand.u32 $0x1, s19;
	s17 =	simm.s32 @!p0 $0x0;
	s7 =	sor.u32 s6, s7  }
0xc: {  	p0 =	por $0x0, $0x0;
	s6 =	ssub.s32 $0x2, s6;
	s8 =	sshll.u32 s7, $0x5  }
0xd: {  	v0 =	vimm.f32 $7.000000000e+00;
	vm0 =	vcmask $0x300;
	s10 =	sshll.u32 s7, $0x14;
	s12 =	sshrl.u32 s6, $0x1;
	s7 =	sshll.u32 s7, $0x11  }
0xe: {  	vm15 =	vcmask $0x704;
	v0 =	vsel vm0, $0x0, v0;
	s10 =	sor.u32 s9, s10;
	s11 =	sor.u32 $0x8, s8;
	s6 =	ssub.s32 s6, s12  }
0xf: {  	vm4 =	vcmask $0xB08;
	v0 =	vsel vm15, $0x3F800000, v0;
	s7 =	sor.u32 s13, s7;
	s21 =	sor.u32 $0x10, s8;
	s26 =	sor.u32 $0x18, s8  }
0x10: {  	vm5 =	vcmask $0xF0C;
	v0 =	vsel vm4, $0x40000000, v0;
	s12 =	simm.s32 $0x5;
	[dreg:$0x5] =	wrdreg s10;
	s20 =	sshll.u32 s11, $0xF  }
0x11: {  	vm6 =	vcmask $0x1310;
	v0 =	vsel vm5, $0x40400000, v0;
	s7 =	sshrl.u32 s7, $0x3;
	s11 =	sshll.u32 s11, $0xC;
	s22 =	sshll.u32 s21, $0xF  }
0x12: {  	vm7 =	vcmask $0x1714;
	v0 =	vsel vm6, $0x40800000, v0;
	s28 =	sshll.u32 s26, $0xF;
	s29 =	sshll.u32 s21, $0xC;
	s5 =	sshll.u32 s26, $0xC  }
0x13: {  	vm8 =	vcmask $0x1B18;
	v0 =	vsel vm7, $0x40A00000, v0;
	s19 =	smax.u32 s6, $0x1;
	s6 =	simm.s32 $0x80;
	s10 =	sor.u32 s9, s20  }
0x14: {  	vm9 =	vcmask $0x2320;
	s7 =	sadd.s32 s4, s7;
	s11 =	sor.u32 s13, s11;
	s23 =	sor.u32 s9, s22;
	v0 =	vsel vm8, $0x40C00000, v0  }
0x15: {  	vm10 =	vcmask $0x2724;
	s8 =	sor.u32 s13, s29;
	s5 =	sor.u32 s13, s5;
	s20 =	rddreg [dreg:$0x4];
	v0 =	vsel vm9, $0x0, v0  }
0x16: {  	vm11 =	vcmask $0x2B28;
	s13 =	simm.s32 $0x10080;
	p1 =	sne.s32 s19, $0x1;
	[dreg:$0x6] =	wrdreg s10;
	v0 =	vsel vm10, $0x3F800000, v0  }
0x17: {  	vm12 =	vcmask $0x2F2C;
	s19 =	sadd.s32 $0xFFFFFFFF, s19;
	[dreg:$0x7] =	wrdreg s7;
	s11 =	sshrl.u32 s11, $0x3;
	v0 =	vsel vm11, $0x40000000, v0  }
.Ltmp0:
0x18: {  	vm13 =	vcmask $0x3330;
	v2 =	vlaneseq.u32;
	[dreg:$0x8] =	wrdreg s23;
	s7 =	sor.u32 s9, s28;
	v0 =	vsel vm12, $0x40400000, v0;
	(pc) =	sbr.rel @!p1 .LBB2_3-.Ltmp0, $4  }
0x19: {  	vm14 =	vcmask $0x3734;
	v2 =	vshrl.u32 v2, $0x3;
	s30 =	sshrl.u32 s8, $0x3;
	s31 =	sshrl.u32 s5, $0x3;
	s9 =	simm.s32 $0x8000;
	v0 =	vsel vm13, $0x40800000, v0  }
0x1a: {  	vm15 =	vcmask $0x3B38;
	v1 =	vmov s25;
	s10 =	simm.s32 $0x1;
	s8 =	simm.s32 $0x4;
	s24 =	sadd.s32 s4, s11;
	v0 =	vsel vm14, $0x40A00000, v0  }
0x1b: {  	vm1 =	veq.s32 v1, v2;
	[dreg:$0xa] =	wrdreg s7;
	s5 =	sadd.s32 s4, s30;
	s4 =	sadd.s32 s4, s31;
	v0 =	vsel vm15, $0x40C00000, v0  }
0x1c: {  	s7 =	simm.s32 $0x1000;
	s11 =	simm.s32 $0x6;
	[dreg:$0x9] =	wrdreg s24;
	v0 =	vnsel vm1, $0x0, v0  }
0x1d: {  	[tilespmem:s2], [sflag:$0x7] =	stream.linear.gather [hbm4b:s20+s2], $0x80, $0x38;
	[tilespmem:$0x18080] =	vst v63  }
0x1e: {  	_ =	swait.ge [sflag:s18], $0x80  }
0x1f: {  	[sflag:s18] =	ssyncset.done $0x0  }
0x20: {  	[sflag:s18] =	ssyncadd.s32 $0xFFFFFF80  }
0x21: {  	v1 =	vld [tilespmem:s17+$0x0];
	_ =	sdelay $0x4  }
0x22: {  	v1 =	vmul.f32 v1, v0;
	_ =	sdelay $0x1  }
0x23: {  	(xrf2) =	vadd.scan.msk.f32 $0xffff, v1;
	_ =	sdelay $0x9  }
0x24: {  	v1, _, _ =	vpop (xrf2)  }
0x25: {  	(v2sf) =	vpush v1, $0xF;
	_ =	sdelay $0xe  }
0x26: {  	s26 =	spop (v2sf)  }
0x27: {  	s20 =	scvt.f32.s32 s26;
	_ =	sdelay $0x1  }
0x28: {  	s21 =	rddreg [dreg:$0x5];
	s20 =	sshll.u32 s20, $0xC  }
0x29: {  	s21 =	sadd.s32 s20, s21  }
0x2a: {  	s21 =	sshrl.u32 s21, $0x3  }
0x2b: {  	s21 =	sadd.s32 s3, s21  }
0x2c: {  	[tilespmem:s6], [sflag:$0x1] =	stream.strided.gather [hbm4b:s21+s7], $0x8000, s9, s7, $0x38;
	[tilespmem:$0x18080] =	vst v63  }
0x2d: {  	_ =	swait.ge [sflag:s10], $0x8000  }
0x2e: {  	s28 =	rddreg [dreg:$0x6]  }
0x2f: {  	s21 =	sadd.s32 s20, s28  }
0x30: {  	[sflag:s10] =	ssyncset.done $0x0;
	s21 =	sshrl.u32 s21, $0x3  }
0x31: {  	[sflag:s10] =	ssyncadd.s32 $0xFFFF8000;
	s21 =	sadd.s32 s3, s21  }
0x32: {  	[tilespmem:s14], [sflag:$0x2] =	stream.strided.gather [hbm4b:s21+s7], $0x8000, s9, s7, $0x38;
	[tilespmem:$0x18080] =	vst v63  }
0x33: {  	s22 =	rddreg [dreg:$0x7]  }
0x34: {  	[hbm4b:s22+s2] =	stream.linear.scatter [tilespmem:s6], [sflag:$0x4], $0x8000, $0x38;
	[tilespmem:$0x18080] =	vst v63  }
0x35: {  	_ =	swait.ge [sflag:s16], $0x8000  }
0x36: {  	s29 =	rddreg [dreg:$0x8]  }
0x37: {  	s21 =	sadd.s32 s20, s29  }
0x38: {  	[sflag:s16] =	ssyncset.done $0x0;
	s21 =	sshrl.u32 s21, $0x3  }
0x39: {  	[sflag:s16] =	ssyncadd.s32 $0xFFFF8000;
	s21 =	sadd.s32 s3, s21  }
0x3a: {  	[tilespmem:s13], [sflag:$0x3] =	stream.strided.gather [hbm4b:s21+s7], $0x8000, s9, s7, $0x38;
	[tilespmem:$0x18080] =	vst v63  }
0x3b: {  	s30 =	rddreg [dreg:$0x9]  }
0x3c: {  	[hbm4b:s30+s2] =	stream.linear.scatter [tilespmem:s14], [sflag:$0x5], $0x8000, $0x38;
	[tilespmem:$0x18080] =	vst v63  }
0x3d: {  	_ =	swait.ge [sflag:s15], $0x8000  }
0x3e: {  	[sflag:s15] =	ssyncset.done $0x0  }
0x3f: {  	[sflag:s15] =	ssyncadd.s32 $0xFFFF8000  }
0x40: {  	_ =	swait.ge [sflag:s8], $0x8000  }
0x41: {  	s31 =	rddreg [dreg:$0xa]  }
0x42: {  	s20 =	sadd.s32 s20, s31  }
0x43: {  	[sflag:s8] =	ssyncset.done $0x0;
	s20 =	sshrl.u32 s20, $0x3  }
0x44: {  	[sflag:s8] =	ssyncadd.s32 $0xFFFF8000;
	s20 =	sadd.s32 s3, s20  }
0x45: {  	[tilespmem:s6], [sflag:$0x1] =	stream.strided.gather [hbm4b:s20+s7], $0x8000, s9, s7, $0x38;
	[tilespmem:$0x18080] =	vst v63  }
0x46: {  	_ = 	snop  }
0x47: {  	[hbm4b:s5+s2] =	stream.linear.scatter [tilespmem:s13], [sflag:$0x6], $0x8000, $0x38;
	[tilespmem:$0x18080] =	vst v63  }
0x48: {  	_ =	swait.ge [sflag:s10], $0x8000  }
0x49: {  	[sflag:s10] =	ssyncset.done $0x0  }
0x4a: {  	[sflag:s10] =	ssyncadd.s32 $0xFFFF8000  }
0x4b: {  	[hbm4b:s4+s2] =	stream.linear.scatter [tilespmem:s6], [sflag:$0x4], $0x8000, $0x38;
	[tilespmem:$0x18080] =	vst v63  }
0x4c: {  	_ =	swait.ge [sflag:s12], $0x8000  }
0x4d: {  	[sflag:s12] =	ssyncset.done $0x0  }
0x4e: {  	p1 =	sne.s32 s19, $0x1;
	[sflag:s12] =	ssyncadd.s32 $0xFFFF8000  }
.Ltmp1:
0x4f: {  	_ =	swait.ge [sflag:s11], $0x8000;
	(pc) =	sbr.rel @!p1 .LBB2_3-.Ltmp1, $4  }
0x50: {  	[sflag:s11] =	ssyncset.done $0x0  }
0x51: {  	[sflag:s11] =	ssyncadd.s32 $0xFFFF8000  }
0x52: {  	s19 =	sadd.s32 $0xFFFFFFFF, s19;
	_ =	swait.ge [sflag:s8], $0x8000  }
0x53: {  	p0 =	por $0x1, $0x1;
	s20 =	rddreg [dreg:$0x4];
	[sflag:s8] =	ssyncset.done $0x0  }
.LBB2_2:
0x54: {  	[sflag:s8] =	ssyncadd.s32 $0xFFFF8000  }
0x55: {  	[tilespmem:s2], [sflag:$0x7] =	stream.linear.gather [hbm4b:s20+s2], $0x80, $0x38;
	[tilespmem:$0x18080] =	vst v63  }
0x56: {  	_ =	swait.ge [sflag:s18], $0x80  }
0x57: {  	[sflag:s18] =	ssyncset.done $0x0  }
0x58: {  	[sflag:s18] =	ssyncadd.s32 $0xFFFFFF80  }
0x59: {  	v1 =	vld [tilespmem:s17+$0x0];
	_ =	sdelay $0x4  }
0x5a: {  	v1 =	vmul.f32 v1, v0;
	_ =	sdelay $0x1  }
0x5b: {  	(xrf2) =	vadd.scan.msk.f32 $0xffff, v1;
	_ =	sdelay $0x9  }
0x5c: {  	v1, _, _ =	vpop (xrf2)  }
0x5d: {  	(v2sf) =	vpush v1, $0xF;
	_ =	sdelay $0xe  }
0x5e: {  	s26 =	spop (v2sf)  }
0x5f: {  	s20 =	scvt.f32.s32 s26;
	_ =	sdelay $0x1  }
0x60: {  	s21 =	rddreg [dreg:$0x5];
	s20 =	sshll.u32 s20, $0xC  }
0x61: {  	s21 =	sadd.s32 s20, s21  }
0x62: {  	s21 =	sshrl.u32 s21, $0x3  }
0x63: {  	s21 =	sadd.s32 s3, s21  }
0x64: {  	[tilespmem:s6], [sflag:$0x1] =	stream.strided.gather [hbm4b:s21+s7], $0x8000, s9, s7, $0x38;
	[tilespmem:$0x18080] =	vst v63  }
0x65: {  	_ =	swait.ge [sflag:s10], $0x8000  }
0x66: {  	s28 =	rddreg [dreg:$0x6]  }
0x67: {  	s21 =	sadd.s32 s20, s28  }
0x68: {  	[sflag:s10] =	ssyncset.done $0x0;
	s21 =	sshrl.u32 s21, $0x3  }
0x69: {  	[sflag:s10] =	ssyncadd.s32 $0xFFFF8000;
	s21 =	sadd.s32 s3, s21  }
0x6a: {  	[tilespmem:s14], [sflag:$0x2] =	stream.strided.gather [hbm4b:s21+s7], $0x8000, s9, s7, $0x38;
	[tilespmem:$0x18080] =	vst v63  }
0x6b: {  	s22 =	rddreg [dreg:$0x7]  }
0x6c: {  	[hbm4b:s22+s2] =	stream.linear.scatter [tilespmem:s6], [sflag:$0x4], $0x8000, $0x38;
	[tilespmem:$0x18080] =	vst v63  }
0x6d: {  	_ =	swait.ge [sflag:s16], $0x8000  }
0x6e: {  	s29 =	rddreg [dreg:$0x8]  }
0x6f: {  	s21 =	sadd.s32 s20, s29  }
0x70: {  	[sflag:s16] =	ssyncset.done $0x0;
	s21 =	sshrl.u32 s21, $0x3  }
0x71: {  	[sflag:s16] =	ssyncadd.s32 $0xFFFF8000;
	s21 =	sadd.s32 s3, s21  }
0x72: {  	[tilespmem:s13], [sflag:$0x3] =	stream.strided.gather [hbm4b:s21+s7], $0x8000, s9, s7, $0x38;
	[tilespmem:$0x18080] =	vst v63  }
0x73: {  	s30 =	rddreg [dreg:$0x9]  }
0x74: {  	[hbm4b:s30+s2] =	stream.linear.scatter [tilespmem:s14], [sflag:$0x5], $0x8000, $0x38;
	[tilespmem:$0x18080] =	vst v63  }
0x75: {  	_ =	swait.ge [sflag:s15], $0x8000  }
0x76: {  	[sflag:s15] =	ssyncset.done $0x0  }
0x77: {  	[sflag:s15] =	ssyncadd.s32 $0xFFFF8000  }
0x78: {  	_ =	swait.ge [sflag:s8], $0x8000  }
0x79: {  	s31 =	rddreg [dreg:$0xa]  }
0x7a: {  	s20 =	sadd.s32 s20, s31  }
0x7b: {  	[sflag:s8] =	ssyncset.done $0x0;
	s20 =	sshrl.u32 s20, $0x3  }
0x7c: {  	[sflag:s8] =	ssyncadd.s32 $0xFFFF8000;
	s20 =	sadd.s32 s3, s20  }
0x7d: {  	[tilespmem:s6], [sflag:$0x1] =	stream.strided.gather [hbm4b:s20+s7], $0x8000, s9, s7, $0x38;
	[tilespmem:$0x18080] =	vst v63  }
0x7e: {  	_ = 	snop  }
0x7f: {  	[hbm4b:s5+s2] =	stream.linear.scatter [tilespmem:s13], [sflag:$0x6], $0x8000, $0x38;
	[tilespmem:$0x18080] =	vst v63  }
0x80: {  	_ =	swait.ge [sflag:s10], $0x8000  }
0x81: {  	[sflag:s10] =	ssyncset.done $0x0  }
0x82: {  	[sflag:s10] =	ssyncadd.s32 $0xFFFF8000  }
0x83: {  	[hbm4b:s4+s2] =	stream.linear.scatter [tilespmem:s6], [sflag:$0x4], $0x8000, $0x38;
	[tilespmem:$0x18080] =	vst v63  }
0x84: {  	_ =	swait.ge [sflag:s12], $0x8000  }
0x85: {  	[sflag:s12] =	ssyncset.done $0x0  }
0x86: {  	p1 =	sne.s32 s19, $0x1;
	[sflag:s12] =	ssyncadd.s32 $0xFFFF8000  }
.Ltmp2:
0x87: {  	_ =	swait.ge [sflag:s11], $0x8000;
	(pc) =	sbr.rel @p1 .LBB2_2-.Ltmp2, $4  }
0x88: {  	[sflag:s11] =	ssyncset.done $0x0  }
0x89: {  	[sflag:s11] =	ssyncadd.s32 $0xFFFF8000  }
0x8a: {  	_ =	swait.ge [sflag:s8], $0x8000  }
0x8b: {  	s19 =	sadd.s32 $0xFFFFFFFF, s19;
	s20 =	rddreg [dreg:$0x4];
	[sflag:s8] =	ssyncset.done $0x0  }
.LBB2_3:
0x8c: {  	[sflag:s8] =	ssyncadd.s32 @p0 $0xFFFF8000  }
0x8d: {  	[tilespmem:s2], [sflag:$0x7] =	stream.linear.gather [hbm4b:s20+s2], $0x80, $0x38;
	[tilespmem:$0x18080] =	vst v63  }
0x8e: {  	_ =	swait.ge [sflag:s18], $0x80  }
0x8f: {  	[sflag:s18] =	ssyncset.done $0x0  }
0x90: {  	[sflag:s18] =	ssyncadd.s32 $0xFFFFFF80  }
0x91: {  	v1 =	vld [tilespmem:s17+$0x0];
	_ =	sdelay $0x4  }
0x92: {  	v0 =	vmul.f32 v1, v0;
	_ =	sdelay $0x1  }
0x93: {  	(xrf2) =	vadd.scan.msk.f32 $0xffff, v0;
	_ =	sdelay $0x9  }
0x94: {  	v0, _, _ =	vpop (xrf2)  }
0x95: {  	(v2sf) =	vpush v0, $0xF;
	_ =	sdelay $0xe  }
0x96: {  	s23 =	spop (v2sf)  }
0x97: {  	s17 =	scvt.f32.s32 s23;
	_ =	sdelay $0x1  }
0x98: {  	s24 =	rddreg [dreg:$0x5];
	s17 =	sshll.u32 s17, $0xC  }
0x99: {  	s18 =	sadd.s32 s17, s24  }
0x9a: {  	s18 =	sshrl.u32 s18, $0x3  }
0x9b: {  	s18 =	sadd.s32 s3, s18  }
0x9c: {  	[tilespmem:s6], [sflag:$0x1] =	stream.strided.gather [hbm4b:s18+s7], $0x8000, s9, s7, $0x38;
	[tilespmem:$0x18080] =	vst v63  }
0x9d: {  	_ =	swait.ge [sflag:s10], $0x8000  }
0x9e: {  	s25 =	rddreg [dreg:$0x6]  }
0x9f: {  	s18 =	sadd.s32 s17, s25  }
0xa0: {  	[sflag:s10] =	ssyncset.done $0x0;
	s18 =	sshrl.u32 s18, $0x3  }
0xa1: {  	[sflag:s10] =	ssyncadd.s32 $0xFFFF8000;
	s18 =	sadd.s32 s3, s18  }
0xa2: {  	[tilespmem:s14], [sflag:$0x2] =	stream.strided.gather [hbm4b:s18+s7], $0x8000, s9, s7, $0x38;
	[tilespmem:$0x18080] =	vst v63  }
0xa3: {  	s19 =	rddreg [dreg:$0x7]  }
0xa4: {  	[hbm4b:s19+s2] =	stream.linear.scatter [tilespmem:s6], [sflag:$0x4], $0x8000, $0x38;
	[tilespmem:$0x18080] =	vst v63  }
0xa5: {  	_ =	swait.ge [sflag:s16], $0x8000  }
0xa6: {  	s26 =	rddreg [dreg:$0x8]  }
0xa7: {  	s18 =	sadd.s32 s17, s26  }
0xa8: {  	[sflag:s16] =	ssyncset.done $0x0;
	s18 =	sshrl.u32 s18, $0x3  }
0xa9: {  	[sflag:s16] =	ssyncadd.s32 $0xFFFF8000;
	s28 =	sadd.s32 s3, s18  }
0xaa: {  	[tilespmem:s13], [sflag:$0x3] =	stream.strided.gather [hbm4b:s28+s7], $0x8000, s9, s7, $0x38;
	[tilespmem:$0x18080] =	vst v63  }
0xab: {  	s29 =	rddreg [dreg:$0x9]  }
0xac: {  	[hbm4b:s29+s2] =	stream.linear.scatter [tilespmem:s14], [sflag:$0x5], $0x8000, $0x38;
	[tilespmem:$0x18080] =	vst v63  }
0xad: {  	_ =	swait.ge [sflag:s15], $0x8000  }
0xae: {  	[sflag:s15] =	ssyncset.done $0x0  }
0xaf: {  	[sflag:s15] =	ssyncadd.s32 $0xFFFF8000  }
0xb0: {  	_ =	swait.ge [sflag:s8], $0x8000  }
0xb1: {  	s30 =	rddreg [dreg:$0xa]  }
0xb2: {  	s14 =	sadd.s32 s17, s30  }
0xb3: {  	[sflag:s8] =	ssyncset.done $0x0;
	s14 =	sshrl.u32 s14, $0x3  }
0xb4: {  	[sflag:s8] =	ssyncadd.s32 $0xFFFF8000;
	s31 =	sadd.s32 s3, s14  }
0xb5: {  	[tilespmem:s6], [sflag:$0x1] =	stream.strided.gather [hbm4b:s31+s7], $0x8000, s9, s7, $0x38;
	[tilespmem:$0x18080] =	vst v63  }
0xb6: {  	_ = 	snop  }
0xb7: {  	[hbm4b:s5+s2] =	stream.linear.scatter [tilespmem:s13], [sflag:$0x6], $0x8000, $0x38;
	[tilespmem:$0x18080] =	vst v63  }
0xb8: {  	_ =	swait.ge [sflag:s10], $0x8000  }
0xb9: {  	[sflag:s10] =	ssyncset.done $0x0  }
0xba: {  	[sflag:s10] =	ssyncadd.s32 $0xFFFF8000  }
0xbb: {  	[hbm4b:s4+s2] =	stream.linear.scatter [tilespmem:s6], [sflag:$0x4], $0x8000, $0x38;
	[tilespmem:$0x18080] =	vst v63  }
0xbc: {  	_ =	swait.ge [sflag:s12], $0x8000  }
0xbd: {  	[sflag:s12] =	ssyncset.done $0x0  }
0xbe: {  	[sflag:s12] =	ssyncadd.s32 $0xFFFF8000  }
0xbf: {  	_ =	swait.ge [sflag:s11], $0x8000  }
0xc0: {  	[sflag:s11] =	ssyncset.done $0x0  }
0xc1: {  	[sflag:s11] =	ssyncadd.s32 $0xFFFF8000  }
0xc2: {  	_ =	swait.ge [sflag:s8], $0x8000  }
0xc3: {  	[sflag:s8] =	ssyncset.done $0x0  }
0xc4: {  	[sflag:s8] =	ssyncadd.s32 $0xFFFF8000  }
0xc5: {  	_ =	sfence.sel $0x180000  }
0xc6: {  	[bflag:$0x0] =	sbarrier.arrive $0xFFFF  }
0xc7: {  	p0 =	sne.s32 s1, $0x0;
	_ =	strace $0x90000047  }
0xc8: {  	s0 =	sadd.s32 @!p0 $0x100000, s0;
	[bflag:$0x2] =	sbarrier.arrive $0xFFFF  }
0xc9: {  	[sflag:s0] =	ssyncadd.tile.s32 @!p0 $0x1;
	_ =	shalt  }
.Lfunc_end2:
_tile_overlayer_lowered:
.L_overlay_start_2:
0xca: {  	(tag) =	ssettag $0x2  }
0xcb: {  	s0 =	rddreg [dreg:$0x0];
	s2 =	stileid.u32  }
0xcc: {  	s1 =	rddreg [dreg:$0x1];
	p0 =	sne.s32 s2, $0x0  }
0xcd: {  	s3 =	rddreg [dreg:$0x2];
	[bflag:$0x3] =	sbarrier.arrive $0xFFFF;
	s2 =	simm.s32 @!p0 $0x1C07  }
0xce: {  	[timem:s3], [sflag:s2] =	dma.local @!p0 [hbm:s0], s1  }
0xcf: {  	s0 =	simm.s32 @!p0 $0x7  }
0xd0: {  	_ =	swait.ge @!p0 [sflag:s0], s1  }
0xd1: {  	s1 =	ssub.s32 @!p0 $0x0, s1;
	[sflag:s0] =	ssyncset.done @!p0 $0x0  }
0xd2: {  	[sflag:s0] =	ssyncadd.s32 @!p0 s1  }
0xd3: {  	[bflag:$0x3] =	sbarrier.arrive $0xFFFF  }
0xd4: {  	_ =	shalt  }

</sc_bundles>
